<compile_context>
chip_gen: v7x
topology: tpu7x:2x2x1
jax: 0.10.2.dev20260603
libtpu: 0.0.44.dev20260713+nightly
codegen_flags: <defaults>
</compile_context>

<pallas_src>
import functools

import jax
import jax.numpy as jnp
import numpy as np
from jax import lax
from jax.experimental import pallas as pl
from jax.experimental.pallas import tpu as pltpu
from jax.experimental.pallas import tpu_sc as plsc

VOCAB = 100000
EMBED = 128
BATCH = 1024
SEQ = 200

NC, NS = 2, 16
NW = NC * NS
ROWS = BATCH * SEQ
ROWS_PER_W = ROWS // NW
CH = 80
NCH = ROWS_PER_W // CH
NBUF = 8
PEXT = SEQ + CH


def _pe_table() -> np.ndarray:
    pos = np.arange(SEQ, dtype=np.float32).reshape(SEQ, 1)
    i = np.arange(EMBED, dtype=np.float32)
    pe = pos / np.power(np.float32(10000.0), 2.0 * i / EMBED, dtype=np.float32)
    even = (np.arange(EMBED) % 2) == 0
    pe = np.where(even[None, :], np.sin(pe), np.cos(pe)).astype(np.float32)
    return np.concatenate([pe, pe[:PEXT - SEQ]], axis=0)


def _sc_body(idx_hbm, table_hbm, pe_hbm, out_hbm, idx_v, pe_v, buf, gsems, ssems):
    wid = lax.axis_index("s") * NC + lax.axis_index("c")
    wbase = wid * ROWS_PER_W

    pltpu.sync_copy(idx_hbm.at[wid], idx_v)

    @pl.when(lax.axis_index("s") == 0)
    def _():
        pltpu.sync_copy(pe_hbm, pe_v)

    plsc.subcore_barrier()

    def start_gather(c, slot):
        return

    def wait_gather(c, slot):
        return

    def start_store(c, slot):
        pltpu.async_copy(
            buf.at[slot], out_hbm.at[pl.ds(wbase + c * CH, CH)], ssems.at[slot]
        )

    def wait_store(c, slot):
        pltpu.make_async_copy(
            buf.at[slot], out_hbm.at[pl.ds(wbase + c * CH, CH)], ssems.at[slot]
        ).wait()

    for s in range(NBUF - 1):
        start_gather(s, s)

    def group(q, carry):
        for j in range(NBUF):
            c = q * NBUF + j
            wait_gather(c, j)
            start_store(c, j)

            nxt = c + NBUF - 1
            nslot = (j + NBUF - 1) % NBUF

            @pl.when(c >= 1)
            def _():
                wait_store(c - 1, nslot)

            @pl.when(nxt < NCH)
            def _():
                start_gather(nxt, nslot)
        return carry

    lax.fori_loop(0, NCH // NBUF, group, 0)

    wait_store(NCH - 1, (NCH - 1) % NBUF)


_sc_call = functools.partial(
    pl.kernel,
    out_type=jax.ShapeDtypeStruct((ROWS, EMBED), jnp.float32),
    mesh=plsc.VectorSubcoreMesh(core_axis_name="c", subcore_axis_name="s"),
    scratch_types=[
        pltpu.VMEM((NCH, CH), jnp.int32),
        pltpu.VMEM_SHARED((PEXT, EMBED), jnp.float32),
        pltpu.VMEM((NBUF, CH, EMBED), jnp.float32),
        pltpu.SemaphoreType.DMA((NBUF,)),
        pltpu.SemaphoreType.DMA((NBUF,)),
    ],
)


def kernel(inputs, table):
    pe = jnp.asarray(_pe_table())
    idx = inputs.reshape(NW, NCH, CH).astype(jnp.int32)
    out = _sc_call(_sc_body)(idx, table, pe)
    return out.reshape(BATCH, SEQ, EMBED)

# --- scband reference (transcript-rebuilt; emitter-appended) ---
"""Pipeline reference for scband-input-encoding-137438953532 (READ-ONLY COPY).

The authoritative reference and input builder live on the scoring server;
editing this copy changes nothing except your own understanding.
"""

import jax, jax.numpy as jnp
import numpy as np

VOCAB = 100000
EMBED = 128
BATCH = 1024
SEQ = 200


def setup_inputs(seed: int = 0) -> dict:
    key = jax.random.key(seed)
    k_idx, k_tab = jax.random.split(key)
    inputs = jax.random.randint(k_idx, (BATCH, SEQ), 0, VOCAB, dtype=jnp.int64 if jax.config.jax_enable_x64 else jnp.int32)
    table = jax.random.normal(k_tab, (VOCAB, EMBED), dtype=jnp.float32)
    return {"inputs": inputs, "table": table}


def _positional_embeddings(batch_size, seq_len, embed_size):
    pos = jnp.arange(seq_len, dtype=jnp.float32).reshape(seq_len, 1)
    i = jnp.arange(embed_size, dtype=jnp.float32)
    pe = pos / jnp.power(jnp.float32(10000.0), 2.0 * i / embed_size)
    even_mask = (jnp.arange(embed_size) % 2) == 0
    pe = jnp.where(even_mask[None, :], jnp.sin(pe), jnp.cos(pe))
    return jnp.broadcast_to(pe[None, :, :], (batch_size, seq_len, embed_size))


def reference(inputs, table):
    input_embeddings = jnp.take(table, inputs, axis=0)
    b, s, e = input_embeddings.shape
    positional_embeddings = _positional_embeddings(b, s, e)
    return input_embeddings + positional_embeddings

if __name__ == "__main__":
    import jax
    _d = setup_inputs()
    print(jax.jit(kernel)(*tuple(_d.values())))

</pallas_src>

<mosaic_0001>
#map = affine_map<(d0, d1) -> (0, 0, 0)>
#map1 = affine_map<(d0, d1) -> (0, 0)>
module attributes {stable_mosaic.version = 14 : i64} {
  func.func @_sc_body(%arg0: i32, %arg1: i32, %arg2: memref<32x80x80xi32, #tpu.memory_space<hbm>>, %arg3: memref<100000x128xf32, #tpu.memory_space<hbm>>, %arg4: memref<280x128xf32, #tpu.memory_space<hbm>>, %arg5: memref<204800x128xf32, #tpu.memory_space<hbm>>, %arg6: memref<80x80xi32, #tpu.memory_space<vmem>>, %arg7: memref<280x128xf32, #tpu.memory_space<vmem_shared>>, %arg8: memref<8x80x128xf32, #tpu.memory_space<vmem>>, %arg9: memref<8x!tpu.dma_semaphore, #tpu.memory_space<semaphore_mem>>, %arg10: memref<8x!tpu.dma_semaphore, #tpu.memory_space<semaphore_mem>>) attributes {dimension_semantics = [#tpu.dimension_semantics<core_parallel>, #tpu.dimension_semantics<subcore_parallel>], iteration_bounds = array<i64: 2, 16>, scalar_prefetch = 0 : i64, scratch_operands = 5 : i64, tpu.core_type = #tpu.core_type<sc_vector_subcore>, window_params = [{transform_indices = #map}, {transform_indices = #map1}, {transform_indices = #map1}, {transform_indices = #map1}]} {
    %mul3A = arith.constant 2 : i32
    %mul3A_0 = arith.muli %arg1, %mul3A : i32
    %add3A = arith.addi %mul3A_0, %arg0 : i32
    %mul3A_1 = arith.constant 6400 : i32
    %mul3A_2 = arith.muli %add3A, %mul3A_1 : i32
    "tpu.region"() ({
      %run_scoped3A = tpu.sem_alloc : memref<!tpu.dma_semaphore, #tpu.memory_space<semaphore_mem>>
      %dma_start3A = arith.constant 0 : i32
      %dma_start3A_27 = arith.constant 0 : i32
      %dma_start3A_28 = tpu.memref_slice %arg2[%add3A, %dma_start3A, %dma_start3A_27] : memref<32x80x80xi32, #tpu.memory_space<hbm>> -> memref<1x80x80xi32, #tpu.memory_space<hbm>>
      %dma_start3A_29 = tpu.memref_squeeze %dma_start3A_28 : memref<1x80x80xi32, #tpu.memory_space<hbm>> -> memref<80x80xi32, #tpu.memory_space<hbm>>
      %dma_start3A_30 = arith.constant 0 : i32
      %dma_start3A_31 = arith.constant 0 : i32
      %dma_start3A_32 = tpu.memref_slice %arg2[%add3A, %dma_start3A_30, %dma_start3A_31] : memref<32x80x80xi32, #tpu.memory_space<hbm>> -> memref<1x80x80xi32, #tpu.memory_space<hbm>>
      %dma_start3A_33 = tpu.memref_squeeze %dma_start3A_32 : memref<1x80x80xi32, #tpu.memory_space<hbm>> -> memref<80x80xi32, #tpu.memory_space<hbm>>
      tpu.enqueue_dma source(%dma_start3A_33 : memref<80x80xi32, #tpu.memory_space<hbm>>) target(%arg6 : memref<80x80xi32, #tpu.memory_space<vmem>>) target_semaphore(%run_scoped3A : memref<!tpu.dma_semaphore, #tpu.memory_space<semaphore_mem>>)
      %dma_wait3A_34 = arith.constant 0 : i32
      %dma_wait3A_35 = arith.constant 0 : i32
      %dma_wait3A_36 = tpu.memref_slice %arg2[%add3A, %dma_wait3A_34, %dma_wait3A_35] : memref<32x80x80xi32, #tpu.memory_space<hbm>> -> memref<1x80x80xi32, #tpu.memory_space<hbm>>
      %dma_wait3A_37 = tpu.memref_squeeze %dma_wait3A_36 : memref<1x80x80xi32, #tpu.memory_space<hbm>> -> memref<80x80xi32, #tpu.memory_space<hbm>>
      %dma_wait3A_38 = arith.constant 0 : i32
      %dma_wait3A_39 = arith.constant 0 : i32
      %dma_wait3A_40 = tpu.memref_slice %arg2[%add3A, %dma_wait3A_38, %dma_wait3A_39] : memref<32x80x80xi32, #tpu.memory_space<hbm>> -> memref<1x80x80xi32, #tpu.memory_space<hbm>>
      %dma_wait3A_41 = tpu.memref_squeeze %dma_wait3A_40 : memref<1x80x80xi32, #tpu.memory_space<hbm>> -> memref<80x80xi32, #tpu.memory_space<hbm>>
      tpu.wait_dma2 semaphore(%run_scoped3A : memref<!tpu.dma_semaphore, #tpu.memory_space<semaphore_mem>>) src(%dma_wait3A_41 : memref<80x80xi32, #tpu.memory_space<hbm>>) dst(%arg6 : memref<80x80xi32, #tpu.memory_space<vmem>>)
      tpu.yield
    }) : () -> ()
    %eq3A = arith.constant 0 : i32
    %eq3A_3 = arith.cmpi eq, %arg1, %eq3A : i32
    %convert_element_type3A = arith.extui %eq3A_3 : i1 to i32
    %cond3A = arith.constant 0 : i32
    %cond3A_4 = arith.cmpi ne, %convert_element_type3A, %cond3A : i32
    scf.if %cond3A_4 {
      "tpu.region"() ({
        %run_scoped3A = tpu.sem_alloc : memref<!tpu.dma_semaphore, #tpu.memory_space<semaphore_mem>>
        tpu.enqueue_dma source(%arg4 : memref<280x128xf32, #tpu.memory_space<hbm>>) target(%arg7 : memref<280x128xf32, #tpu.memory_space<vmem_shared>>) target_semaphore(%run_scoped3A : memref<!tpu.dma_semaphore, #tpu.memory_space<semaphore_mem>>)
        tpu.wait_dma2 semaphore(%run_scoped3A : memref<!tpu.dma_semaphore, #tpu.memory_space<semaphore_mem>>) src(%arg4 : memref<280x128xf32, #tpu.memory_space<hbm>>) dst(%arg7 : memref<280x128xf32, #tpu.memory_space<vmem_shared>>)
        tpu.yield
      }) : () -> ()
    } else {
    }
    %barrier3A = arith.constant 0 : index
    tpu.barrier barrier_id(%barrier3A)
    %scan3A = arith.constant 0 : i32
    %scan3A_5 = arith.constant 0 : i32
    %scan3A_6 = arith.constant 10 : i32
    %scan3A_7 = arith.addi %scan3A_5, %scan3A_6 : i32
    %scan3A_8 = arith.constant 1 : i32
    scf.for %scan3A_27 = %scan3A_5 to %scan3A_7 step %scan3A_8  : i32 {
      %mul3A_28 = arith.constant 8 : i32
      %mul3A_29 = arith.muli %scan3A_27, %mul3A_28 : i32
      %add3A_30 = arith.constant 0 : i32
      %add3A_31 = arith.addi %mul3A_29, %add3A_30 : i32
      %mul3A_32 = arith.constant 80 : i32
      %mul3A_33 = arith.muli %add3A_31, %mul3A_32 : i32
      %add3A_34 = arith.addi %mul3A_2, %mul3A_33 : i32
      %dma_start3A = arith.constant 0 : i32
      %dma_start3A_35 = arith.constant 0 : i32
      %dma_start3A_36 = arith.constant 0 : i32
      %dma_start3A_37 = arith.constant 0 : i32
      %dma_start3A_38 = tpu.memref_slice %arg8[%dma_start3A, %dma_start3A_36, %dma_start3A_37] : memref<8x80x128xf32, #tpu.memory_space<vmem>> -> memref<1x80x128xf32, #tpu.memory_space<vmem>>
      %dma_start3A_39 = tpu.memref_squeeze %dma_start3A_38 : memref<1x80x128xf32, #tpu.memory_space<vmem>> -> memref<80x128xf32, #tpu.memory_space<vmem>>
      %dma_start3A_40 = arith.constant 0 : i32
      %dma_start3A_41 = tpu.memref_slice %arg5[%add3A_34, %dma_start3A_40] : memref<204800x128xf32, #tpu.memory_space<hbm>> -> memref<80x128xf32, #tpu.memory_space<hbm>>
      %dma_start3A_42 = tpu.memref_slice %arg10[%dma_start3A_35] : memref<8x!tpu.dma_semaphore, #tpu.memory_space<semaphore_mem>> -> memref<1x!tpu.dma_semaphore, #tpu.memory_space<semaphore_mem>>
      %dma_start3A_43 = tpu.memref_squeeze %dma_start3A_42 : memref<1x!tpu.dma_semaphore, #tpu.memory_space<semaphore_mem>> -> memref<!tpu.dma_semaphore, #tpu.memory_space<semaphore_mem>>
      %dma_start3A_44 = arith.constant 0 : i32
      %dma_start3A_45 = tpu.memref_slice %arg5[%add3A_34, %dma_start3A_44] : memref<204800x128xf32, #tpu.memory_space<hbm>> -> memref<80x128xf32, #tpu.memory_space<hbm>>
      %dma_start3A_46 = arith.constant 0 : i32
      %dma_start3A_47 = arith.constant 0 : i32
      %dma_start3A_48 = tpu.memref_slice %arg8[%dma_start3A, %dma_start3A_46, %dma_start3A_47] : memref<8x80x128xf32, #tpu.memory_space<vmem>> -> memref<1x80x128xf32, #tpu.memory_space<vmem>>
      %dma_start3A_49 = tpu.memref_squeeze %dma_start3A_48 : memref<1x80x128xf32, #tpu.memory_space<vmem>> -> memref<80x128xf32, #tpu.memory_space<vmem>>
      tpu.enqueue_dma source(%dma_start3A_49 : memref<80x128xf32, #tpu.memory_space<vmem>>) target(%dma_start3A_45 : memref<80x128xf32, #tpu.memory_space<hbm>>) target_semaphore(%dma_start3A_43 : memref<!tpu.dma_semaphore, #tpu.memory_space<semaphore_mem>>)
      %add3A_50 = arith.constant 8 : i32
      %add3A_51 = arith.addi %add3A_31, %add3A_50 : i32
      %sub3A = arith.constant 1 : i32
      %sub3A_52 = arith.subi %add3A_51, %sub3A : i32
      %ge3A = arith.constant 1 : i32
      %ge3A_53 = arith.cmpi sge, %add3A_31, %ge3A : i32
      %convert_element_type3A_54 = arith.extui %ge3A_53 : i1 to i32
      %cond3A_55 = arith.constant 0 : i32
      %cond3A_56 = arith.cmpi ne, %convert_element_type3A_54, %cond3A_55 : i32
      scf.if %cond3A_56 {
        %sub3A_320 = arith.constant 1 : i32
        %sub3A_321 = arith.subi %add3A_31, %sub3A_320 : i32
        %mul3A_322 = arith.constant 80 : i32
        %mul3A_323 = arith.muli %sub3A_321, %mul3A_322 : i32
        %add3A_324 = arith.addi %mul3A_2, %mul3A_323 : i32
        %dma_wait3A_325 = arith.constant 7 : i32
        %dma_wait3A_326 = arith.constant 7 : i32
        %dma_wait3A_327 = arith.constant 0 : i32
        %dma_wait3A_328 = arith.constant 0 : i32
        %dma_wait3A_329 = tpu.memref_slice %arg8[%dma_wait3A_325, %dma_wait3A_327, %dma_wait3A_328] : memref<8x80x128xf32, #tpu.memory_space<vmem>> -> memref<1x80x128xf32, #tpu.memory_space<vmem>>
        %dma_wait3A_330 = tpu.memref_squeeze %dma_wait3A_329 : memref<1x80x128xf32, #tpu.memory_space<vmem>> -> memref<80x128xf32, #tpu.memory_space<vmem>>
        %dma_wait3A_331 = arith.constant 0 : i32
        %dma_wait3A_332 = tpu.memref_slice %arg5[%add3A_324, %dma_wait3A_331] : memref<204800x128xf32, #tpu.memory_space<hbm>> -> memref<80x128xf32, #tpu.memory_space<hbm>>
        %dma_wait3A_333 = tpu.memref_slice %arg10[%dma_wait3A_326] : memref<8x!tpu.dma_semaphore, #tpu.memory_space<semaphore_mem>> -> memref<1x!tpu.dma_semaphore, #tpu.memory_space<semaphore_mem>>
        %dma_wait3A_334 = tpu.memref_squeeze %dma_wait3A_333 : memref<1x!tpu.dma_semaphore, #tpu.memory_space<semaphore_mem>> -> memref<!tpu.dma_semaphore, #tpu.memory_space<semaphore_mem>>
        %dma_wait3A_335 = arith.constant 0 : i32
        %dma_wait3A_336 = tpu.memref_slice %arg5[%add3A_324, %dma_wait3A_335] : memref<204800x128xf32, #tpu.memory_space<hbm>> -> memref<80x128xf32, #tpu.memory_space<hbm>>
        %dma_wait3A_337 = arith.constant 0 : i32
        %dma_wait3A_338 = arith.constant 0 : i32
        %dma_wait3A_339 = tpu.memref_slice %arg8[%dma_wait3A_325, %dma_wait3A_337, %dma_wait3A_338] : memref<8x80x128xf32, #tpu.memory_space<vmem>> -> memref<1x80x128xf32, #tpu.memory_space<vmem>>
        %dma_wait3A_340 = tpu.memref_squeeze %dma_wait3A_339 : memref<1x80x128xf32, #tpu.memory_space<vmem>> -> memref<80x128xf32, #tpu.memory_space<vmem>>
        tpu.wait_dma2 semaphore(%dma_wait3A_334 : memref<!tpu.dma_semaphore, #tpu.memory_space<semaphore_mem>>) src(%dma_wait3A_340 : memref<80x128xf32, #tpu.memory_space<vmem>>) dst(%dma_wait3A_336 : memref<80x128xf32, #tpu.memory_space<hbm>>)
      } else {
      }
      %lt3A = arith.constant 80 : i32
      %lt3A_57 = arith.cmpi slt, %sub3A_52, %lt3A : i32
      %convert_element_type3A_58 = arith.extui %lt3A_57 : i1 to i32
      %cond3A_59 = arith.constant 0 : i32
      %cond3A_60 = arith.cmpi ne, %convert_element_type3A_58, %cond3A_59 : i32
      scf.if %cond3A_60 {
      } else {
      }
      %mul3A_61 = arith.constant 8 : i32
      %mul3A_62 = arith.muli %scan3A_27, %mul3A_61 : i32
      %add3A_63 = arith.constant 1 : i32
      %add3A_64 = arith.addi %mul3A_62, %add3A_63 : i32
      %mul3A_65 = arith.constant 80 : i32
      %mul3A_66 = arith.muli %add3A_64, %mul3A_65 : i32
      %add3A_67 = arith.addi %mul3A_2, %mul3A_66 : i32
      %dma_start3A_68 = arith.constant 1 : i32
      %dma_start3A_69 = arith.constant 1 : i32
      %dma_start3A_70 = arith.constant 0 : i32
      %dma_start3A_71 = arith.constant 0 : i32
      %dma_start3A_72 = tpu.memref_slice %arg8[%dma_start3A_68, %dma_start3A_70, %dma_start3A_71] : memref<8x80x128xf32, #tpu.memory_space<vmem>> -> memref<1x80x128xf32, #tpu.memory_space<vmem>>
      %dma_start3A_73 = tpu.memref_squeeze %dma_start3A_72 : memref<1x80x128xf32, #tpu.memory_space<vmem>> -> memref<80x128xf32, #tpu.memory_space<vmem>>
      %dma_start3A_74 = arith.constant 0 : i32
      %dma_start3A_75 = tpu.memref_slice %arg5[%add3A_67, %dma_start3A_74] : memref<204800x128xf32, #tpu.memory_space<hbm>> -> memref<80x128xf32, #tpu.memory_space<hbm>>
      %dma_start3A_76 = tpu.memref_slice %arg10[%dma_start3A_69] : memref<8x!tpu.dma_semaphore, #tpu.memory_space<semaphore_mem>> -> memref<1x!tpu.dma_semaphore, #tpu.memory_space<semaphore_mem>>
      %dma_start3A_77 = tpu.memref_squeeze %dma_start3A_76 : memref<1x!tpu.dma_semaphore, #tpu.memory_space<semaphore_mem>> -> memref<!tpu.dma_semaphore, #tpu.memory_space<semaphore_mem>>
      %dma_start3A_78 = arith.constant 0 : i32
      %dma_start3A_79 = tpu.memref_slice %arg5[%add3A_67, %dma_start3A_78] : memref<204800x128xf32, #tpu.memory_space<hbm>> -> memref<80x128xf32, #tpu.memory_space<hbm>>
      %dma_start3A_80 = arith.constant 0 : i32
      %dma_start3A_81 = arith.constant 0 : i32
      %dma_start3A_82 = tpu.memref_slice %arg8[%dma_start3A_68, %dma_start3A_80, %dma_start3A_81] : memref<8x80x128xf32, #tpu.memory_space<vmem>> -> memref<1x80x128xf32, #tpu.memory_space<vmem>>
      %dma_start3A_83 = tpu.memref_squeeze %dma_start3A_82 : memref<1x80x128xf32, #tpu.memory_space<vmem>> -> memref<80x128xf32, #tpu.memory_space<vmem>>
      tpu.enqueue_dma source(%dma_start3A_83 : memref<80x128xf32, #tpu.memory_space<vmem>>) target(%dma_start3A_79 : memref<80x128xf32, #tpu.memory_space<hbm>>) target_semaphore(%dma_start3A_77 : memref<!tpu.dma_semaphore, #tpu.memory_space<semaphore_mem>>)
      %add3A_84 = arith.constant 8 : i32
      %add3A_85 = arith.addi %add3A_64, %add3A_84 : i32
      %sub3A_86 = arith.constant 1 : i32
      %sub3A_87 = arith.subi %add3A_85, %sub3A_86 : i32
      %ge3A_88 = arith.constant 1 : i32
      %ge3A_89 = arith.cmpi sge, %add3A_64, %ge3A_88 : i32
      %convert_element_type3A_90 = arith.extui %ge3A_89 : i1 to i32
      %cond3A_91 = arith.constant 0 : i32
      %cond3A_92 = arith.cmpi ne, %convert_element_type3A_90, %cond3A_91 : i32
      scf.if %cond3A_92 {
        %sub3A_320 = arith.constant 1 : i32
        %sub3A_321 = arith.subi %add3A_64, %sub3A_320 : i32
        %mul3A_322 = arith.constant 80 : i32
        %mul3A_323 = arith.muli %sub3A_321, %mul3A_322 : i32
        %add3A_324 = arith.addi %mul3A_2, %mul3A_323 : i32
        %dma_wait3A_325 = arith.constant 0 : i32
        %dma_wait3A_326 = arith.constant 0 : i32
        %dma_wait3A_327 = arith.constant 0 : i32
        %dma_wait3A_328 = arith.constant 0 : i32
        %dma_wait3A_329 = tpu.memref_slice %arg8[%dma_wait3A_325, %dma_wait3A_327, %dma_wait3A_328] : memref<8x80x128xf32, #tpu.memory_space<vmem>> -> memref<1x80x128xf32, #tpu.memory_space<vmem>>
        %dma_wait3A_330 = tpu.memref_squeeze %dma_wait3A_329 : memref<1x80x128xf32, #tpu.memory_space<vmem>> -> memref<80x128xf32, #tpu.memory_space<vmem>>
        %dma_wait3A_331 = arith.constant 0 : i32
        %dma_wait3A_332 = tpu.memref_slice %arg5[%add3A_324, %dma_wait3A_331] : memref<204800x128xf32, #tpu.memory_space<hbm>> -> memref<80x128xf32, #tpu.memory_space<hbm>>
        %dma_wait3A_333 = tpu.memref_slice %arg10[%dma_wait3A_326] : memref<8x!tpu.dma_semaphore, #tpu.memory_space<semaphore_mem>> -> memref<1x!tpu.dma_semaphore, #tpu.memory_space<semaphore_mem>>
        %dma_wait3A_334 = tpu.memref_squeeze %dma_wait3A_333 : memref<1x!tpu.dma_semaphore, #tpu.memory_space<semaphore_mem>> -> memref<!tpu.dma_semaphore, #tpu.memory_space<semaphore_mem>>
        %dma_wait3A_335 = arith.constant 0 : i32
        %dma_wait3A_336 = tpu.memref_slice %arg5[%add3A_324, %dma_wait3A_335] : memref<204800x128xf32, #tpu.memory_space<hbm>> -> memref<80x128xf32, #tpu.memory_space<hbm>>
        %dma_wait3A_337 = arith.constant 0 : i32
        %dma_wait3A_338 = arith.constant 0 : i32
        %dma_wait3A_339 = tpu.memref_slice %arg8[%dma_wait3A_325, %dma_wait3A_337, %dma_wait3A_338] : memref<8x80x128xf32, #tpu.memory_space<vmem>> -> memref<1x80x128xf32, #tpu.memory_space<vmem>>
        %dma_wait3A_340 = tpu.memref_squeeze %dma_wait3A_339 : memref<1x80x128xf32, #tpu.memory_space<vmem>> -> memref<80x128xf32, #tpu.memory_space<vmem>>
        tpu.wait_dma2 semaphore(%dma_wait3A_334 : memref<!tpu.dma_semaphore, #tpu.memory_space<semaphore_mem>>) src(%dma_wait3A_340 : memref<80x128xf32, #tpu.memory_space<vmem>>) dst(%dma_wait3A_336 : memref<80x128xf32, #tpu.memory_space<hbm>>)
      } else {
      }
      %lt3A_93 = arith.constant 80 : i32
      %lt3A_94 = arith.cmpi slt, %sub3A_87, %lt3A_93 : i32
      %convert_element_type3A_95 = arith.extui %lt3A_94 : i1 to i32
      %cond3A_96 = arith.constant 0 : i32
      %cond3A_97 = arith.cmpi ne, %convert_element_type3A_95, %cond3A_96 : i32
      scf.if %cond3A_97 {
      } else {
      }
      %mul3A_98 = arith.constant 8 : i32
      %mul3A_99 = arith.muli %scan3A_27, %mul3A_98 : i32
      %add3A_100 = arith.constant 2 : i32
      %add3A_101 = arith.addi %mul3A_99, %add3A_100 : i32
      %mul3A_102 = arith.constant 80 : i32
      %mul3A_103 = arith.muli %add3A_101, %mul3A_102 : i32
      %add3A_104 = arith.addi %mul3A_2, %mul3A_103 : i32
      %dma_start3A_105 = arith.constant 2 : i32
      %dma_start3A_106 = arith.constant 2 : i32
      %dma_start3A_107 = arith.constant 0 : i32
      %dma_start3A_108 = arith.constant 0 : i32
      %dma_start3A_109 = tpu.memref_slice %arg8[%dma_start3A_105, %dma_start3A_107, %dma_start3A_108] : memref<8x80x128xf32, #tpu.memory_space<vmem>> -> memref<1x80x128xf32, #tpu.memory_space<vmem>>
      %dma_start3A_110 = tpu.memref_squeeze %dma_start3A_109 : memref<1x80x128xf32, #tpu.memory_space<vmem>> -> memref<80x128xf32, #tpu.memory_space<vmem>>
      %dma_start3A_111 = arith.constant 0 : i32
      %dma_start3A_112 = tpu.memref_slice %arg5[%add3A_104, %dma_start3A_111] : memref<204800x128xf32, #tpu.memory_space<hbm>> -> memref<80x128xf32, #tpu.memory_space<hbm>>
      %dma_start3A_113 = tpu.memref_slice %arg10[%dma_start3A_106] : memref<8x!tpu.dma_semaphore, #tpu.memory_space<semaphore_mem>> -> memref<1x!tpu.dma_semaphore, #tpu.memory_space<semaphore_mem>>
      %dma_start3A_114 = tpu.memref_squeeze %dma_start3A_113 : memref<1x!tpu.dma_semaphore, #tpu.memory_space<semaphore_mem>> -> memref<!tpu.dma_semaphore, #tpu.memory_space<semaphore_mem>>
      %dma_start3A_115 = arith.constant 0 : i32
      %dma_start3A_116 = tpu.memref_slice %arg5[%add3A_104, %dma_start3A_115] : memref<204800x128xf32, #tpu.memory_space<hbm>> -> memref<80x128xf32, #tpu.memory_space<hbm>>
      %dma_start3A_117 = arith.constant 0 : i32
      %dma_start3A_118 = arith.constant 0 : i32
      %dma_start3A_119 = tpu.memref_slice %arg8[%dma_start3A_105, %dma_start3A_117, %dma_start3A_118] : memref<8x80x128xf32, #tpu.memory_space<vmem>> -> memref<1x80x128xf32, #tpu.memory_space<vmem>>
      %dma_start3A_120 = tpu.memref_squeeze %dma_start3A_119 : memref<1x80x128xf32, #tpu.memory_space<vmem>> -> memref<80x128xf32, #tpu.memory_space<vmem>>
      tpu.enqueue_dma source(%dma_start3A_120 : memref<80x128xf32, #tpu.memory_space<vmem>>) target(%dma_start3A_116 : memref<80x128xf32, #tpu.memory_space<hbm>>) target_semaphore(%dma_start3A_114 : memref<!tpu.dma_semaphore, #tpu.memory_space<semaphore_mem>>)
      %add3A_121 = arith.constant 8 : i32
      %add3A_122 = arith.addi %add3A_101, %add3A_121 : i32
      %sub3A_123 = arith.constant 1 : i32
      %sub3A_124 = arith.subi %add3A_122, %sub3A_123 : i32
      %ge3A_125 = arith.constant 1 : i32
      %ge3A_126 = arith.cmpi sge, %add3A_101, %ge3A_125 : i32
      %convert_element_type3A_127 = arith.extui %ge3A_126 : i1 to i32
      %cond3A_128 = arith.constant 0 : i32
      %cond3A_129 = arith.cmpi ne, %convert_element_type3A_127, %cond3A_128 : i32
      scf.if %cond3A_129 {
        %sub3A_320 = arith.constant 1 : i32
        %sub3A_321 = arith.subi %add3A_101, %sub3A_320 : i32
        %mul3A_322 = arith.constant 80 : i32
        %mul3A_323 = arith.muli %sub3A_321, %mul3A_322 : i32
        %add3A_324 = arith.addi %mul3A_2, %mul3A_323 : i32
        %dma_wait3A_325 = arith.constant 1 : i32
        %dma_wait3A_326 = arith.constant 1 : i32
        %dma_wait3A_327 = arith.constant 0 : i32
        %dma_wait3A_328 = arith.constant 0 : i32
        %dma_wait3A_329 = tpu.memref_slice %arg8[%dma_wait3A_325, %dma_wait3A_327, %dma_wait3A_328] : memref<8x80x128xf32, #tpu.memory_space<vmem>> -> memref<1x80x128xf32, #tpu.memory_space<vmem>>
        %dma_wait3A_330 = tpu.memref_squeeze %dma_wait3A_329 : memref<1x80x128xf32, #tpu.memory_space<vmem>> -> memref<80x128xf32, #tpu.memory_space<vmem>>
        %dma_wait3A_331 = arith.constant 0 : i32
        %dma_wait3A_332 = tpu.memref_slice %arg5[%add3A_324, %dma_wait3A_331] : memref<204800x128xf32, #tpu.memory_space<hbm>> -> memref<80x128xf32, #tpu.memory_space<hbm>>
        %dma_wait3A_333 = tpu.memref_slice %arg10[%dma_wait3A_326] : memref<8x!tpu.dma_semaphore, #tpu.memory_space<semaphore_mem>> -> memref<1x!tpu.dma_semaphore, #tpu.memory_space<semaphore_mem>>
        %dma_wait3A_334 = tpu.memref_squeeze %dma_wait3A_333 : memref<1x!tpu.dma_semaphore, #tpu.memory_space<semaphore_mem>> -> memref<!tpu.dma_semaphore, #tpu.memory_space<semaphore_mem>>
        %dma_wait3A_335 = arith.constant 0 : i32
        %dma_wait3A_336 = tpu.memref_slice %arg5[%add3A_324, %dma_wait3A_335] : memref<204800x128xf32, #tpu.memory_space<hbm>> -> memref<80x128xf32, #tpu.memory_space<hbm>>
        %dma_wait3A_337 = arith.constant 0 : i32
        %dma_wait3A_338 = arith.constant 0 : i32
        %dma_wait3A_339 = tpu.memref_slice %arg8[%dma_wait3A_325, %dma_wait3A_337, %dma_wait3A_338] : memref<8x80x128xf32, #tpu.memory_space<vmem>> -> memref<1x80x128xf32, #tpu.memory_space<vmem>>
        %dma_wait3A_340 = tpu.memref_squeeze %dma_wait3A_339 : memref<1x80x128xf32, #tpu.memory_space<vmem>> -> memref<80x128xf32, #tpu.memory_space<vmem>>
        tpu.wait_dma2 semaphore(%dma_wait3A_334 : memref<!tpu.dma_semaphore, #tpu.memory_space<semaphore_mem>>) src(%dma_wait3A_340 : memref<80x128xf32, #tpu.memory_space<vmem>>) dst(%dma_wait3A_336 : memref<80x128xf32, #tpu.memory_space<hbm>>)
      } else {
      }
      %lt3A_130 = arith.constant 80 : i32
      %lt3A_131 = arith.cmpi slt, %sub3A_124, %lt3A_130 : i32
      %convert_element_type3A_132 = arith.extui %lt3A_131 : i1 to i32
      %cond3A_133 = arith.constant 0 : i32
      %cond3A_134 = arith.cmpi ne, %convert_element_type3A_132, %cond3A_133 : i32
      scf.if %cond3A_134 {
      } else {
      }
      %mul3A_135 = arith.constant 8 : i32
      %mul3A_136 = arith.muli %scan3A_27, %mul3A_135 : i32
      %add3A_137 = arith.constant 3 : i32
      %add3A_138 = arith.addi %mul3A_136, %add3A_137 : i32
      %mul3A_139 = arith.constant 80 : i32
      %mul3A_140 = arith.muli %add3A_138, %mul3A_139 : i32
      %add3A_141 = arith.addi %mul3A_2, %mul3A_140 : i32
      %dma_start3A_142 = arith.constant 3 : i32
      %dma_start3A_143 = arith.constant 3 : i32
      %dma_start3A_144 = arith.constant 0 : i32
      %dma_start3A_145 = arith.constant 0 : i32
      %dma_start3A_146 = tpu.memref_slice %arg8[%dma_start3A_142, %dma_start3A_144, %dma_start3A_145] : memref<8x80x128xf32, #tpu.memory_space<vmem>> -> memref<1x80x128xf32, #tpu.memory_space<vmem>>
      %dma_start3A_147 = tpu.memref_squeeze %dma_start3A_146 : memref<1x80x128xf32, #tpu.memory_space<vmem>> -> memref<80x128xf32, #tpu.memory_space<vmem>>
      %dma_start3A_148 = arith.constant 0 : i32
      %dma_start3A_149 = tpu.memref_slice %arg5[%add3A_141, %dma_start3A_148] : memref<204800x128xf32, #tpu.memory_space<hbm>> -> memref<80x128xf32, #tpu.memory_space<hbm>>
      %dma_start3A_150 = tpu.memref_slice %arg10[%dma_start3A_143] : memref<8x!tpu.dma_semaphore, #tpu.memory_space<semaphore_mem>> -> memref<1x!tpu.dma_semaphore, #tpu.memory_space<semaphore_mem>>
      %dma_start3A_151 = tpu.memref_squeeze %dma_start3A_150 : memref<1x!tpu.dma_semaphore, #tpu.memory_space<semaphore_mem>> -> memref<!tpu.dma_semaphore, #tpu.memory_space<semaphore_mem>>
      %dma_start3A_152 = arith.constant 0 : i32
      %dma_start3A_153 = tpu.memref_slice %arg5[%add3A_141, %dma_start3A_152] : memref<204800x128xf32, #tpu.memory_space<hbm>> -> memref<80x128xf32, #tpu.memory_space<hbm>>
      %dma_start3A_154 = arith.constant 0 : i32
      %dma_start3A_155 = arith.constant 0 : i32
      %dma_start3A_156 = tpu.memref_slice %arg8[%dma_start3A_142, %dma_start3A_154, %dma_start3A_155] : memref<8x80x128xf32, #tpu.memory_space<vmem>> -> memref<1x80x128xf32, #tpu.memory_space<vmem>>
      %dma_start3A_157 = tpu.memref_squeeze %dma_start3A_156 : memref<1x80x128xf32, #tpu.memory_space<vmem>> -> memref<80x128xf32, #tpu.memory_space<vmem>>
      tpu.enqueue_dma source(%dma_start3A_157 : memref<80x128xf32, #tpu.memory_space<vmem>>) target(%dma_start3A_153 : memref<80x128xf32, #tpu.memory_space<hbm>>) target_semaphore(%dma_start3A_151 : memref<!tpu.dma_semaphore, #tpu.memory_space<semaphore_mem>>)
      %add3A_158 = arith.constant 8 : i32
      %add3A_159 = arith.addi %add3A_138, %add3A_158 : i32
      %sub3A_160 = arith.constant 1 : i32
      %sub3A_161 = arith.subi %add3A_159, %sub3A_160 : i32
      %ge3A_162 = arith.constant 1 : i32
      %ge3A_163 = arith.cmpi sge, %add3A_138, %ge3A_162 : i32
      %convert_element_type3A_164 = arith.extui %ge3A_163 : i1 to i32
      %cond3A_165 = arith.constant 0 : i32
      %cond3A_166 = arith.cmpi ne, %convert_element_type3A_164, %cond3A_165 : i32
      scf.if %cond3A_166 {
        %sub3A_320 = arith.constant 1 : i32
        %sub3A_321 = arith.subi %add3A_138, %sub3A_320 : i32
        %mul3A_322 = arith.constant 80 : i32
        %mul3A_323 = arith.muli %sub3A_321, %mul3A_322 : i32
        %add3A_324 = arith.addi %mul3A_2, %mul3A_323 : i32
        %dma_wait3A_325 = arith.constant 2 : i32
        %dma_wait3A_326 = arith.constant 2 : i32
        %dma_wait3A_327 = arith.constant 0 : i32
        %dma_wait3A_328 = arith.constant 0 : i32
        %dma_wait3A_329 = tpu.memref_slice %arg8[%dma_wait3A_325, %dma_wait3A_327, %dma_wait3A_328] : memref<8x80x128xf32, #tpu.memory_space<vmem>> -> memref<1x80x128xf32, #tpu.memory_space<vmem>>
        %dma_wait3A_330 = tpu.memref_squeeze %dma_wait3A_329 : memref<1x80x128xf32, #tpu.memory_space<vmem>> -> memref<80x128xf32, #tpu.memory_space<vmem>>
        %dma_wait3A_331 = arith.constant 0 : i32
        %dma_wait3A_332 = tpu.memref_slice %arg5[%add3A_324, %dma_wait3A_331] : memref<204800x128xf32, #tpu.memory_space<hbm>> -> memref<80x128xf32, #tpu.memory_space<hbm>>
        %dma_wait3A_333 = tpu.memref_slice %arg10[%dma_wait3A_326] : memref<8x!tpu.dma_semaphore, #tpu.memory_space<semaphore_mem>> -> memref<1x!tpu.dma_semaphore, #tpu.memory_space<semaphore_mem>>
        %dma_wait3A_334 = tpu.memref_squeeze %dma_wait3A_333 : memref<1x!tpu.dma_semaphore, #tpu.memory_space<semaphore_mem>> -> memref<!tpu.dma_semaphore, #tpu.memory_space<semaphore_mem>>
        %dma_wait3A_335 = arith.constant 0 : i32
        %dma_wait3A_336 = tpu.memref_slice %arg5[%add3A_324, %dma_wait3A_335] : memref<204800x128xf32, #tpu.memory_space<hbm>> -> memref<80x128xf32, #tpu.memory_space<hbm>>
        %dma_wait3A_337 = arith.constant 0 : i32
        %dma_wait3A_338 = arith.constant 0 : i32
        %dma_wait3A_339 = tpu.memref_slice %arg8[%dma_wait3A_325, %dma_wait3A_337, %dma_wait3A_338] : memref<8x80x128xf32, #tpu.memory_space<vmem>> -> memref<1x80x128xf32, #tpu.memory_space<vmem>>
        %dma_wait3A_340 = tpu.memref_squeeze %dma_wait3A_339 : memref<1x80x128xf32, #tpu.memory_space<vmem>> -> memref<80x128xf32, #tpu.memory_space<vmem>>
        tpu.wait_dma2 semaphore(%dma_wait3A_334 : memref<!tpu.dma_semaphore, #tpu.memory_space<semaphore_mem>>) src(%dma_wait3A_340 : memref<80x128xf32, #tpu.memory_space<vmem>>) dst(%dma_wait3A_336 : memref<80x128xf32, #tpu.memory_space<hbm>>)
      } else {
      }
      %lt3A_167 = arith.constant 80 : i32
      %lt3A_168 = arith.cmpi slt, %sub3A_161, %lt3A_167 : i32
      %convert_element_type3A_169 = arith.extui %lt3A_168 : i1 to i32
      %cond3A_170 = arith.constant 0 : i32
      %cond3A_171 = arith.cmpi ne, %convert_element_type3A_169, %cond3A_170 : i32
      scf.if %cond3A_171 {
      } else {
      }
      %mul3A_172 = arith.constant 8 : i32
      %mul3A_173 = arith.muli %scan3A_27, %mul3A_172 : i32
      %add3A_174 = arith.constant 4 : i32
      %add3A_175 = arith.addi %mul3A_173, %add3A_174 : i32
      %mul3A_176 = arith.constant 80 : i32
      %mul3A_177 = arith.muli %add3A_175, %mul3A_176 : i32
      %add3A_178 = arith.addi %mul3A_2, %mul3A_177 : i32
      %dma_start3A_179 = arith.constant 4 : i32
      %dma_start3A_180 = arith.constant 4 : i32
      %dma_start3A_181 = arith.constant 0 : i32
      %dma_start3A_182 = arith.constant 0 : i32
      %dma_start3A_183 = tpu.memref_slice %arg8[%dma_start3A_179, %dma_start3A_181, %dma_start3A_182] : memref<8x80x128xf32, #tpu.memory_space<vmem>> -> memref<1x80x128xf32, #tpu.memory_space<vmem>>
      %dma_start3A_184 = tpu.memref_squeeze %dma_start3A_183 : memref<1x80x128xf32, #tpu.memory_space<vmem>> -> memref<80x128xf32, #tpu.memory_space<vmem>>
      %dma_start3A_185 = arith.constant 0 : i32
      %dma_start3A_186 = tpu.memref_slice %arg5[%add3A_178, %dma_start3A_185] : memref<204800x128xf32, #tpu.memory_space<hbm>> -> memref<80x128xf32, #tpu.memory_space<hbm>>
      %dma_start3A_187 = tpu.memref_slice %arg10[%dma_start3A_180] : memref<8x!tpu.dma_semaphore, #tpu.memory_space<semaphore_mem>> -> memref<1x!tpu.dma_semaphore, #tpu.memory_space<semaphore_mem>>
      %dma_start3A_188 = tpu.memref_squeeze %dma_start3A_187 : memref<1x!tpu.dma_semaphore, #tpu.memory_space<semaphore_mem>> -> memref<!tpu.dma_semaphore, #tpu.memory_space<semaphore_mem>>
      %dma_start3A_189 = arith.constant 0 : i32
      %dma_start3A_190 = tpu.memref_slice %arg5[%add3A_178, %dma_start3A_189] : memref<204800x128xf32, #tpu.memory_space<hbm>> -> memref<80x128xf32, #tpu.memory_space<hbm>>
      %dma_start3A_191 = arith.constant 0 : i32
      %dma_start3A_192 = arith.constant 0 : i32
      %dma_start3A_193 = tpu.memref_slice %arg8[%dma_start3A_179, %dma_start3A_191, %dma_start3A_192] : memref<8x80x128xf32, #tpu.memory_space<vmem>> -> memref<1x80x128xf32, #tpu.memory_space<vmem>>
      %dma_start3A_194 = tpu.memref_squeeze %dma_start3A_193 : memref<1x80x128xf32, #tpu.memory_space<vmem>> -> memref<80x128xf32, #tpu.memory_space<vmem>>
      tpu.enqueue_dma source(%dma_start3A_194 : memref<80x128xf32, #tpu.memory_space<vmem>>) target(%dma_start3A_190 : memref<80x128xf32, #tpu.memory_space<hbm>>) target_semaphore(%dma_start3A_188 : memref<!tpu.dma_semaphore, #tpu.memory_space<semaphore_mem>>)
      %add3A_195 = arith.constant 8 : i32
      %add3A_196 = arith.addi %add3A_175, %add3A_195 : i32
      %sub3A_197 = arith.constant 1 : i32
      %sub3A_198 = arith.subi %add3A_196, %sub3A_197 : i32
      %ge3A_199 = arith.constant 1 : i32
      %ge3A_200 = arith.cmpi sge, %add3A_175, %ge3A_199 : i32
      %convert_element_type3A_201 = arith.extui %ge3A_200 : i1 to i32
      %cond3A_202 = arith.constant 0 : i32
      %cond3A_203 = arith.cmpi ne, %convert_element_type3A_201, %cond3A_202 : i32
      scf.if %cond3A_203 {
        %sub3A_320 = arith.constant 1 : i32
        %sub3A_321 = arith.subi %add3A_175, %sub3A_320 : i32
        %mul3A_322 = arith.constant 80 : i32
        %mul3A_323 = arith.muli %sub3A_321, %mul3A_322 : i32
        %add3A_324 = arith.addi %mul3A_2, %mul3A_323 : i32
        %dma_wait3A_325 = arith.constant 3 : i32
        %dma_wait3A_326 = arith.constant 3 : i32
        %dma_wait3A_327 = arith.constant 0 : i32
        %dma_wait3A_328 = arith.constant 0 : i32
        %dma_wait3A_329 = tpu.memref_slice %arg8[%dma_wait3A_325, %dma_wait3A_327, %dma_wait3A_328] : memref<8x80x128xf32, #tpu.memory_space<vmem>> -> memref<1x80x128xf32, #tpu.memory_space<vmem>>
        %dma_wait3A_330 = tpu.memref_squeeze %dma_wait3A_329 : memref<1x80x128xf32, #tpu.memory_space<vmem>> -> memref<80x128xf32, #tpu.memory_space<vmem>>
        %dma_wait3A_331 = arith.constant 0 : i32
        %dma_wait3A_332 = tpu.memref_slice %arg5[%add3A_324, %dma_wait3A_331] : memref<204800x128xf32, #tpu.memory_space<hbm>> -> memref<80x128xf32, #tpu.memory_space<hbm>>
        %dma_wait3A_333 = tpu.memref_slice %arg10[%dma_wait3A_326] : memref<8x!tpu.dma_semaphore, #tpu.memory_space<semaphore_mem>> -> memref<1x!tpu.dma_semaphore, #tpu.memory_space<semaphore_mem>>
        %dma_wait3A_334 = tpu.memref_squeeze %dma_wait3A_333 : memref<1x!tpu.dma_semaphore, #tpu.memory_space<semaphore_mem>> -> memref<!tpu.dma_semaphore, #tpu.memory_space<semaphore_mem>>
        %dma_wait3A_335 = arith.constant 0 : i32
        %dma_wait3A_336 = tpu.memref_slice %arg5[%add3A_324, %dma_wait3A_335] : memref<204800x128xf32, #tpu.memory_space<hbm>> -> memref<80x128xf32, #tpu.memory_space<hbm>>
        %dma_wait3A_337 = arith.constant 0 : i32
        %dma_wait3A_338 = arith.constant 0 : i32
        %dma_wait3A_339 = tpu.memref_slice %arg8[%dma_wait3A_325, %dma_wait3A_337, %dma_wait3A_338] : memref<8x80x128xf32, #tpu.memory_space<vmem>> -> memref<1x80x128xf32, #tpu.memory_space<vmem>>
        %dma_wait3A_340 = tpu.memref_squeeze %dma_wait3A_339 : memref<1x80x128xf32, #tpu.memory_space<vmem>> -> memref<80x128xf32, #tpu.memory_space<vmem>>
        tpu.wait_dma2 semaphore(%dma_wait3A_334 : memref<!tpu.dma_semaphore, #tpu.memory_space<semaphore_mem>>) src(%dma_wait3A_340 : memref<80x128xf32, #tpu.memory_space<vmem>>) dst(%dma_wait3A_336 : memref<80x128xf32, #tpu.memory_space<hbm>>)
      } else {
      }
      %lt3A_204 = arith.constant 80 : i32
      %lt3A_205 = arith.cmpi slt, %sub3A_198, %lt3A_204 : i32
      %convert_element_type3A_206 = arith.extui %lt3A_205 : i1 to i32
      %cond3A_207 = arith.constant 0 : i32
      %cond3A_208 = arith.cmpi ne, %convert_element_type3A_206, %cond3A_207 : i32
      scf.if %cond3A_208 {
      } else {
      }
      %mul3A_209 = arith.constant 8 : i32
      %mul3A_210 = arith.muli %scan3A_27, %mul3A_209 : i32
      %add3A_211 = arith.constant 5 : i32
      %add3A_212 = arith.addi %mul3A_210, %add3A_211 : i32
      %mul3A_213 = arith.constant 80 : i32
      %mul3A_214 = arith.muli %add3A_212, %mul3A_213 : i32
      %add3A_215 = arith.addi %mul3A_2, %mul3A_214 : i32
      %dma_start3A_216 = arith.constant 5 : i32
      %dma_start3A_217 = arith.constant 5 : i32
      %dma_start3A_218 = arith.constant 0 : i32
      %dma_start3A_219 = arith.constant 0 : i32
      %dma_start3A_220 = tpu.memref_slice %arg8[%dma_start3A_216, %dma_start3A_218, %dma_start3A_219] : memref<8x80x128xf32, #tpu.memory_space<vmem>> -> memref<1x80x128xf32, #tpu.memory_space<vmem>>
      %dma_start3A_221 = tpu.memref_squeeze %dma_start3A_220 : memref<1x80x128xf32, #tpu.memory_space<vmem>> -> memref<80x128xf32, #tpu.memory_space<vmem>>
      %dma_start3A_222 = arith.constant 0 : i32
      %dma_start3A_223 = tpu.memref_slice %arg5[%add3A_215, %dma_start3A_222] : memref<204800x128xf32, #tpu.memory_space<hbm>> -> memref<80x128xf32, #tpu.memory_space<hbm>>
      %dma_start3A_224 = tpu.memref_slice %arg10[%dma_start3A_217] : memref<8x!tpu.dma_semaphore, #tpu.memory_space<semaphore_mem>> -> memref<1x!tpu.dma_semaphore, #tpu.memory_space<semaphore_mem>>
      %dma_start3A_225 = tpu.memref_squeeze %dma_start3A_224 : memref<1x!tpu.dma_semaphore, #tpu.memory_space<semaphore_mem>> -> memref<!tpu.dma_semaphore, #tpu.memory_space<semaphore_mem>>
      %dma_start3A_226 = arith.constant 0 : i32
      %dma_start3A_227 = tpu.memref_slice %arg5[%add3A_215, %dma_start3A_226] : memref<204800x128xf32, #tpu.memory_space<hbm>> -> memref<80x128xf32, #tpu.memory_space<hbm>>
      %dma_start3A_228 = arith.constant 0 : i32
      %dma_start3A_229 = arith.constant 0 : i32
      %dma_start3A_230 = tpu.memref_slice %arg8[%dma_start3A_216, %dma_start3A_228, %dma_start3A_229] : memref<8x80x128xf32, #tpu.memory_space<vmem>> -> memref<1x80x128xf32, #tpu.memory_space<vmem>>
      %dma_start3A_231 = tpu.memref_squeeze %dma_start3A_230 : memref<1x80x128xf32, #tpu.memory_space<vmem>> -> memref<80x128xf32, #tpu.memory_space<vmem>>
      tpu.enqueue_dma source(%dma_start3A_231 : memref<80x128xf32, #tpu.memory_space<vmem>>) target(%dma_start3A_227 : memref<80x128xf32, #tpu.memory_space<hbm>>) target_semaphore(%dma_start3A_225 : memref<!tpu.dma_semaphore, #tpu.memory_space<semaphore_mem>>)
      %add3A_232 = arith.constant 8 : i32
      %add3A_233 = arith.addi %add3A_212, %add3A_232 : i32
      %sub3A_234 = arith.constant 1 : i32
      %sub3A_235 = arith.subi %add3A_233, %sub3A_234 : i32
      %ge3A_236 = arith.constant 1 : i32
      %ge3A_237 = arith.cmpi sge, %add3A_212, %ge3A_236 : i32
      %convert_element_type3A_238 = arith.extui %ge3A_237 : i1 to i32
      %cond3A_239 = arith.constant 0 : i32
      %cond3A_240 = arith.cmpi ne, %convert_element_type3A_238, %cond3A_239 : i32
      scf.if %cond3A_240 {
        %sub3A_320 = arith.constant 1 : i32
        %sub3A_321 = arith.subi %add3A_212, %sub3A_320 : i32
        %mul3A_322 = arith.constant 80 : i32
        %mul3A_323 = arith.muli %sub3A_321, %mul3A_322 : i32
        %add3A_324 = arith.addi %mul3A_2, %mul3A_323 : i32
        %dma_wait3A_325 = arith.constant 4 : i32
        %dma_wait3A_326 = arith.constant 4 : i32
        %dma_wait3A_327 = arith.constant 0 : i32
        %dma_wait3A_328 = arith.constant 0 : i32
        %dma_wait3A_329 = tpu.memref_slice %arg8[%dma_wait3A_325, %dma_wait3A_327, %dma_wait3A_328] : memref<8x80x128xf32, #tpu.memory_space<vmem>> -> memref<1x80x128xf32, #tpu.memory_space<vmem>>
        %dma_wait3A_330 = tpu.memref_squeeze %dma_wait3A_329 : memref<1x80x128xf32, #tpu.memory_space<vmem>> -> memref<80x128xf32, #tpu.memory_space<vmem>>
        %dma_wait3A_331 = arith.constant 0 : i32
        %dma_wait3A_332 = tpu.memref_slice %arg5[%add3A_324, %dma_wait3A_331] : memref<204800x128xf32, #tpu.memory_space<hbm>> -> memref<80x128xf32, #tpu.memory_space<hbm>>
        %dma_wait3A_333 = tpu.memref_slice %arg10[%dma_wait3A_326] : memref<8x!tpu.dma_semaphore, #tpu.memory_space<semaphore_mem>> -> memref<1x!tpu.dma_semaphore, #tpu.memory_space<semaphore_mem>>
        %dma_wait3A_334 = tpu.memref_squeeze %dma_wait3A_333 : memref<1x!tpu.dma_semaphore, #tpu.memory_space<semaphore_mem>> -> memref<!tpu.dma_semaphore, #tpu.memory_space<semaphore_mem>>
        %dma_wait3A_335 = arith.constant 0 : i32
        %dma_wait3A_336 = tpu.memref_slice %arg5[%add3A_324, %dma_wait3A_335] : memref<204800x128xf32, #tpu.memory_space<hbm>> -> memref<80x128xf32, #tpu.memory_space<hbm>>
        %dma_wait3A_337 = arith.constant 0 : i32
        %dma_wait3A_338 = arith.constant 0 : i32
        %dma_wait3A_339 = tpu.memref_slice %arg8[%dma_wait3A_325, %dma_wait3A_337, %dma_wait3A_338] : memref<8x80x128xf32, #tpu.memory_space<vmem>> -> memref<1x80x128xf32, #tpu.memory_space<vmem>>
        %dma_wait3A_340 = tpu.memref_squeeze %dma_wait3A_339 : memref<1x80x128xf32, #tpu.memory_space<vmem>> -> memref<80x128xf32, #tpu.memory_space<vmem>>
        tpu.wait_dma2 semaphore(%dma_wait3A_334 : memref<!tpu.dma_semaphore, #tpu.memory_space<semaphore_mem>>) src(%dma_wait3A_340 : memref<80x128xf32, #tpu.memory_space<vmem>>) dst(%dma_wait3A_336 : memref<80x128xf32, #tpu.memory_space<hbm>>)
      } else {
      }
      %lt3A_241 = arith.constant 80 : i32
      %lt3A_242 = arith.cmpi slt, %sub3A_235, %lt3A_241 : i32
      %convert_element_type3A_243 = arith.extui %lt3A_242 : i1 to i32
      %cond3A_244 = arith.constant 0 : i32
      %cond3A_245 = arith.cmpi ne, %convert_element_type3A_243, %cond3A_244 : i32
      scf.if %cond3A_245 {
      } else {
      }
      %mul3A_246 = arith.constant 8 : i32
      %mul3A_247 = arith.muli %scan3A_27, %mul3A_246 : i32
      %add3A_248 = arith.constant 6 : i32
      %add3A_249 = arith.addi %mul3A_247, %add3A_248 : i32
      %mul3A_250 = arith.constant 80 : i32
      %mul3A_251 = arith.muli %add3A_249, %mul3A_250 : i32
      %add3A_252 = arith.addi %mul3A_2, %mul3A_251 : i32
      %dma_start3A_253 = arith.constant 6 : i32
      %dma_start3A_254 = arith.constant 6 : i32
      %dma_start3A_255 = arith.constant 0 : i32
      %dma_start3A_256 = arith.constant 0 : i32
      %dma_start3A_257 = tpu.memref_slice %arg8[%dma_start3A_253, %dma_start3A_255, %dma_start3A_256] : memref<8x80x128xf32, #tpu.memory_space<vmem>> -> memref<1x80x128xf32, #tpu.memory_space<vmem>>
      %dma_start3A_258 = tpu.memref_squeeze %dma_start3A_257 : memref<1x80x128xf32, #tpu.memory_space<vmem>> -> memref<80x128xf32, #tpu.memory_space<vmem>>
      %dma_start3A_259 = arith.constant 0 : i32
      %dma_start3A_260 = tpu.memref_slice %arg5[%add3A_252, %dma_start3A_259] : memref<204800x128xf32, #tpu.memory_space<hbm>> -> memref<80x128xf32, #tpu.memory_space<hbm>>
      %dma_start3A_261 = tpu.memref_slice %arg10[%dma_start3A_254] : memref<8x!tpu.dma_semaphore, #tpu.memory_space<semaphore_mem>> -> memref<1x!tpu.dma_semaphore, #tpu.memory_space<semaphore_mem>>
      %dma_start3A_262 = tpu.memref_squeeze %dma_start3A_261 : memref<1x!tpu.dma_semaphore, #tpu.memory_space<semaphore_mem>> -> memref<!tpu.dma_semaphore, #tpu.memory_space<semaphore_mem>>
      %dma_start3A_263 = arith.constant 0 : i32
      %dma_start3A_264 = tpu.memref_slice %arg5[%add3A_252, %dma_start3A_263] : memref<204800x128xf32, #tpu.memory_space<hbm>> -> memref<80x128xf32, #tpu.memory_space<hbm>>
      %dma_start3A_265 = arith.constant 0 : i32
      %dma_start3A_266 = arith.constant 0 : i32
      %dma_start3A_267 = tpu.memref_slice %arg8[%dma_start3A_253, %dma_start3A_265, %dma_start3A_266] : memref<8x80x128xf32, #tpu.memory_space<vmem>> -> memref<1x80x128xf32, #tpu.memory_space<vmem>>
      %dma_start3A_268 = tpu.memref_squeeze %dma_start3A_267 : memref<1x80x128xf32, #tpu.memory_space<vmem>> -> memref<80x128xf32, #tpu.memory_space<vmem>>
      tpu.enqueue_dma source(%dma_start3A_268 : memref<80x128xf32, #tpu.memory_space<vmem>>) target(%dma_start3A_264 : memref<80x128xf32, #tpu.memory_space<hbm>>) target_semaphore(%dma_start3A_262 : memref<!tpu.dma_semaphore, #tpu.memory_space<semaphore_mem>>)
      %add3A_269 = arith.constant 8 : i32
      %add3A_270 = arith.addi %add3A_249, %add3A_269 : i32
      %sub3A_271 = arith.constant 1 : i32
      %sub3A_272 = arith.subi %add3A_270, %sub3A_271 : i32
      %ge3A_273 = arith.constant 1 : i32
      %ge3A_274 = arith.cmpi sge, %add3A_249, %ge3A_273 : i32
      %convert_element_type3A_275 = arith.extui %ge3A_274 : i1 to i32
      %cond3A_276 = arith.constant 0 : i32
      %cond3A_277 = arith.cmpi ne, %convert_element_type3A_275, %cond3A_276 : i32
      scf.if %cond3A_277 {
        %sub3A_320 = arith.constant 1 : i32
        %sub3A_321 = arith.subi %add3A_249, %sub3A_320 : i32
        %mul3A_322 = arith.constant 80 : i32
        %mul3A_323 = arith.muli %sub3A_321, %mul3A_322 : i32
        %add3A_324 = arith.addi %mul3A_2, %mul3A_323 : i32
        %dma_wait3A_325 = arith.constant 5 : i32
        %dma_wait3A_326 = arith.constant 5 : i32
        %dma_wait3A_327 = arith.constant 0 : i32
        %dma_wait3A_328 = arith.constant 0 : i32
        %dma_wait3A_329 = tpu.memref_slice %arg8[%dma_wait3A_325, %dma_wait3A_327, %dma_wait3A_328] : memref<8x80x128xf32, #tpu.memory_space<vmem>> -> memref<1x80x128xf32, #tpu.memory_space<vmem>>
        %dma_wait3A_330 = tpu.memref_squeeze %dma_wait3A_329 : memref<1x80x128xf32, #tpu.memory_space<vmem>> -> memref<80x128xf32, #tpu.memory_space<vmem>>
        %dma_wait3A_331 = arith.constant 0 : i32
        %dma_wait3A_332 = tpu.memref_slice %arg5[%add3A_324, %dma_wait3A_331] : memref<204800x128xf32, #tpu.memory_space<hbm>> -> memref<80x128xf32, #tpu.memory_space<hbm>>
        %dma_wait3A_333 = tpu.memref_slice %arg10[%dma_wait3A_326] : memref<8x!tpu.dma_semaphore, #tpu.memory_space<semaphore_mem>> -> memref<1x!tpu.dma_semaphore, #tpu.memory_space<semaphore_mem>>
        %dma_wait3A_334 = tpu.memref_squeeze %dma_wait3A_333 : memref<1x!tpu.dma_semaphore, #tpu.memory_space<semaphore_mem>> -> memref<!tpu.dma_semaphore, #tpu.memory_space<semaphore_mem>>
        %dma_wait3A_335 = arith.constant 0 : i32
        %dma_wait3A_336 = tpu.memref_slice %arg5[%add3A_324, %dma_wait3A_335] : memref<204800x128xf32, #tpu.memory_space<hbm>> -> memref<80x128xf32, #tpu.memory_space<hbm>>
        %dma_wait3A_337 = arith.constant 0 : i32
        %dma_wait3A_338 = arith.constant 0 : i32
        %dma_wait3A_339 = tpu.memref_slice %arg8[%dma_wait3A_325, %dma_wait3A_337, %dma_wait3A_338] : memref<8x80x128xf32, #tpu.memory_space<vmem>> -> memref<1x80x128xf32, #tpu.memory_space<vmem>>
        %dma_wait3A_340 = tpu.memref_squeeze %dma_wait3A_339 : memref<1x80x128xf32, #tpu.memory_space<vmem>> -> memref<80x128xf32, #tpu.memory_space<vmem>>
        tpu.wait_dma2 semaphore(%dma_wait3A_334 : memref<!tpu.dma_semaphore, #tpu.memory_space<semaphore_mem>>) src(%dma_wait3A_340 : memref<80x128xf32, #tpu.memory_space<vmem>>) dst(%dma_wait3A_336 : memref<80x128xf32, #tpu.memory_space<hbm>>)
      } else {
      }
      %lt3A_278 = arith.constant 80 : i32
      %lt3A_279 = arith.cmpi slt, %sub3A_272, %lt3A_278 : i32
      %convert_element_type3A_280 = arith.extui %lt3A_279 : i1 to i32
      %cond3A_281 = arith.constant 0 : i32
      %cond3A_282 = arith.cmpi ne, %convert_element_type3A_280, %cond3A_281 : i32
      scf.if %cond3A_282 {
      } else {
      }
      %mul3A_283 = arith.constant 8 : i32
      %mul3A_284 = arith.muli %scan3A_27, %mul3A_283 : i32
      %add3A_285 = arith.constant 7 : i32
      %add3A_286 = arith.addi %mul3A_284, %add3A_285 : i32
      %mul3A_287 = arith.constant 80 : i32
      %mul3A_288 = arith.muli %add3A_286, %mul3A_287 : i32
      %add3A_289 = arith.addi %mul3A_2, %mul3A_288 : i32
      %dma_start3A_290 = arith.constant 7 : i32
      %dma_start3A_291 = arith.constant 7 : i32
      %dma_start3A_292 = arith.constant 0 : i32
      %dma_start3A_293 = arith.constant 0 : i32
      %dma_start3A_294 = tpu.memref_slice %arg8[%dma_start3A_290, %dma_start3A_292, %dma_start3A_293] : memref<8x80x128xf32, #tpu.memory_space<vmem>> -> memref<1x80x128xf32, #tpu.memory_space<vmem>>
      %dma_start3A_295 = tpu.memref_squeeze %dma_start3A_294 : memref<1x80x128xf32, #tpu.memory_space<vmem>> -> memref<80x128xf32, #tpu.memory_space<vmem>>
      %dma_start3A_296 = arith.constant 0 : i32
      %dma_start3A_297 = tpu.memref_slice %arg5[%add3A_289, %dma_start3A_296] : memref<204800x128xf32, #tpu.memory_space<hbm>> -> memref<80x128xf32, #tpu.memory_space<hbm>>
      %dma_start3A_298 = tpu.memref_slice %arg10[%dma_start3A_291] : memref<8x!tpu.dma_semaphore, #tpu.memory_space<semaphore_mem>> -> memref<1x!tpu.dma_semaphore, #tpu.memory_space<semaphore_mem>>
      %dma_start3A_299 = tpu.memref_squeeze %dma_start3A_298 : memref<1x!tpu.dma_semaphore, #tpu.memory_space<semaphore_mem>> -> memref<!tpu.dma_semaphore, #tpu.memory_space<semaphore_mem>>
      %dma_start3A_300 = arith.constant 0 : i32
      %dma_start3A_301 = tpu.memref_slice %arg5[%add3A_289, %dma_start3A_300] : memref<204800x128xf32, #tpu.memory_space<hbm>> -> memref<80x128xf32, #tpu.memory_space<hbm>>
      %dma_start3A_302 = arith.constant 0 : i32
      %dma_start3A_303 = arith.constant 0 : i32
      %dma_start3A_304 = tpu.memref_slice %arg8[%dma_start3A_290, %dma_start3A_302, %dma_start3A_303] : memref<8x80x128xf32, #tpu.memory_space<vmem>> -> memref<1x80x128xf32, #tpu.memory_space<vmem>>
      %dma_start3A_305 = tpu.memref_squeeze %dma_start3A_304 : memref<1x80x128xf32, #tpu.memory_space<vmem>> -> memref<80x128xf32, #tpu.memory_space<vmem>>
      tpu.enqueue_dma source(%dma_start3A_305 : memref<80x128xf32, #tpu.memory_space<vmem>>) target(%dma_start3A_301 : memref<80x128xf32, #tpu.memory_space<hbm>>) target_semaphore(%dma_start3A_299 : memref<!tpu.dma_semaphore, #tpu.memory_space<semaphore_mem>>)
      %add3A_306 = arith.constant 8 : i32
      %add3A_307 = arith.addi %add3A_286, %add3A_306 : i32
      %sub3A_308 = arith.constant 1 : i32
      %sub3A_309 = arith.subi %add3A_307, %sub3A_308 : i32
      %ge3A_310 = arith.constant 1 : i32
      %ge3A_311 = arith.cmpi sge, %add3A_286, %ge3A_310 : i32
      %convert_element_type3A_312 = arith.extui %ge3A_311 : i1 to i32
      %cond3A_313 = arith.constant 0 : i32
      %cond3A_314 = arith.cmpi ne, %convert_element_type3A_312, %cond3A_313 : i32
      scf.if %cond3A_314 {
        %sub3A_320 = arith.constant 1 : i32
        %sub3A_321 = arith.subi %add3A_286, %sub3A_320 : i32
        %mul3A_322 = arith.constant 80 : i32
        %mul3A_323 = arith.muli %sub3A_321, %mul3A_322 : i32
        %add3A_324 = arith.addi %mul3A_2, %mul3A_323 : i32
        %dma_wait3A_325 = arith.constant 6 : i32
        %dma_wait3A_326 = arith.constant 6 : i32
        %dma_wait3A_327 = arith.constant 0 : i32
        %dma_wait3A_328 = arith.constant 0 : i32
        %dma_wait3A_329 = tpu.memref_slice %arg8[%dma_wait3A_325, %dma_wait3A_327, %dma_wait3A_328] : memref<8x80x128xf32, #tpu.memory_space<vmem>> -> memref<1x80x128xf32, #tpu.memory_space<vmem>>
        %dma_wait3A_330 = tpu.memref_squeeze %dma_wait3A_329 : memref<1x80x128xf32, #tpu.memory_space<vmem>> -> memref<80x128xf32, #tpu.memory_space<vmem>>
        %dma_wait3A_331 = arith.constant 0 : i32
        %dma_wait3A_332 = tpu.memref_slice %arg5[%add3A_324, %dma_wait3A_331] : memref<204800x128xf32, #tpu.memory_space<hbm>> -> memref<80x128xf32, #tpu.memory_space<hbm>>
        %dma_wait3A_333 = tpu.memref_slice %arg10[%dma_wait3A_326] : memref<8x!tpu.dma_semaphore, #tpu.memory_space<semaphore_mem>> -> memref<1x!tpu.dma_semaphore, #tpu.memory_space<semaphore_mem>>
        %dma_wait3A_334 = tpu.memref_squeeze %dma_wait3A_333 : memref<1x!tpu.dma_semaphore, #tpu.memory_space<semaphore_mem>> -> memref<!tpu.dma_semaphore, #tpu.memory_space<semaphore_mem>>
        %dma_wait3A_335 = arith.constant 0 : i32
        %dma_wait3A_336 = tpu.memref_slice %arg5[%add3A_324, %dma_wait3A_335] : memref<204800x128xf32, #tpu.memory_space<hbm>> -> memref<80x128xf32, #tpu.memory_space<hbm>>
        %dma_wait3A_337 = arith.constant 0 : i32
        %dma_wait3A_338 = arith.constant 0 : i32
        %dma_wait3A_339 = tpu.memref_slice %arg8[%dma_wait3A_325, %dma_wait3A_337, %dma_wait3A_338] : memref<8x80x128xf32, #tpu.memory_space<vmem>> -> memref<1x80x128xf32, #tpu.memory_space<vmem>>
        %dma_wait3A_340 = tpu.memref_squeeze %dma_wait3A_339 : memref<1x80x128xf32, #tpu.memory_space<vmem>> -> memref<80x128xf32, #tpu.memory_space<vmem>>
        tpu.wait_dma2 semaphore(%dma_wait3A_334 : memref<!tpu.dma_semaphore, #tpu.memory_space<semaphore_mem>>) src(%dma_wait3A_340 : memref<80x128xf32, #tpu.memory_space<vmem>>) dst(%dma_wait3A_336 : memref<80x128xf32, #tpu.memory_space<hbm>>)
      } else {
      }
      %lt3A_315 = arith.constant 80 : i32
      %lt3A_316 = arith.cmpi slt, %sub3A_309, %lt3A_315 : i32
      %convert_element_type3A_317 = arith.extui %lt3A_316 : i1 to i32
      %cond3A_318 = arith.constant 0 : i32
      %cond3A_319 = arith.cmpi ne, %convert_element_type3A_317, %cond3A_318 : i32
      scf.if %cond3A_319 {
      } else {
      }
    }
    %scan3A_9 = arith.constant 10 : i32
    %add3A_10 = arith.constant 6320 : i32
    %add3A_11 = arith.addi %mul3A_2, %add3A_10 : i32
    %dma_wait3A = arith.constant 7 : i32
    %dma_wait3A_12 = arith.constant 7 : i32
    %dma_wait3A_13 = arith.constant 0 : i32
    %dma_wait3A_14 = arith.constant 0 : i32
    %dma_wait3A_15 = tpu.memref_slice %arg8[%dma_wait3A, %dma_wait3A_13, %dma_wait3A_14] : memref<8x80x128xf32, #tpu.memory_space<vmem>> -> memref<1x80x128xf32, #tpu.memory_space<vmem>>
    %dma_wait3A_16 = tpu.memref_squeeze %dma_wait3A_15 : memref<1x80x128xf32, #tpu.memory_space<vmem>> -> memref<80x128xf32, #tpu.memory_space<vmem>>
    %dma_wait3A_17 = arith.constant 0 : i32
    %dma_wait3A_18 = tpu.memref_slice %arg5[%add3A_11, %dma_wait3A_17] : memref<204800x128xf32, #tpu.memory_space<hbm>> -> memref<80x128xf32, #tpu.memory_space<hbm>>
    %dma_wait3A_19 = tpu.memref_slice %arg10[%dma_wait3A_12] : memref<8x!tpu.dma_semaphore, #tpu.memory_space<semaphore_mem>> -> memref<1x!tpu.dma_semaphore, #tpu.memory_space<semaphore_mem>>
    %dma_wait3A_20 = tpu.memref_squeeze %dma_wait3A_19 : memref<1x!tpu.dma_semaphore, #tpu.memory_space<semaphore_mem>> -> memref<!tpu.dma_semaphore, #tpu.memory_space<semaphore_mem>>
    %dma_wait3A_21 = arith.constant 0 : i32
    %dma_wait3A_22 = tpu.memref_slice %arg5[%add3A_11, %dma_wait3A_21] : memref<204800x128xf32, #tpu.memory_space<hbm>> -> memref<80x128xf32, #tpu.memory_space<hbm>>
    %dma_wait3A_23 = arith.constant 0 : i32
    %dma_wait3A_24 = arith.constant 0 : i32
    %dma_wait3A_25 = tpu.memref_slice %arg8[%dma_wait3A, %dma_wait3A_23, %dma_wait3A_24] : memref<8x80x128xf32, #tpu.memory_space<vmem>> -> memref<1x80x128xf32, #tpu.memory_space<vmem>>
    %dma_wait3A_26 = tpu.memref_squeeze %dma_wait3A_25 : memref<1x80x128xf32, #tpu.memory_space<vmem>> -> memref<80x128xf32, #tpu.memory_space<vmem>>
    tpu.wait_dma2 semaphore(%dma_wait3A_20 : memref<!tpu.dma_semaphore, #tpu.memory_space<semaphore_mem>>) src(%dma_wait3A_26 : memref<80x128xf32, #tpu.memory_space<vmem>>) dst(%dma_wait3A_22 : memref<80x128xf32, #tpu.memory_space<hbm>>)
    return
  }
}

</mosaic_0001>

<sc_bundles>
// kernel: kernel.3.cloned.1.call-start
scs
__scs_entry_jumppad:
0x0: {  	(pc) =	sbr.rel $0x88, $3  }
0x1: {  	(tag) =	ssettag $0x0;
	lr =	simm.s32 $0x1  }
0x2: {  	[smem:$0x3F9F] =	sst lr;
	_ =	strace $0xD0000000  }
0x3: {  	_ = 	snop  }
0x4: {  	_ = 	snop  }
0x5: {  	_ = 	snop  }
0x6: {  	_ = 	snop  }
0x7: {  	_ = 	snop  }
__scs_overlays_trampoline_lowered:
0x8: {  	[smem:$0x3FAE] =	sst s0  }
0x9: {  	[smem:$0x3FAF] =	sst s1  }
0xa: {  	[smem:$0x3FB0] =	sst s2  }
0xb: {  	[smem:$0x3FB1] =	sst s3  }
0xc: {  	[smem:$0x3FB2] =	sst s4  }
0xd: {  	[smem:$0x3FB3] =	sst s5  }
0xe: {  	[smem:$0x3FB4] =	sst s6  }
0xf: {  	[smem:$0x3FB5] =	sst s7  }
0x10: {  	[smem:$0x3FB6] =	sst s8  }
0x11: {  	[smem:$0x3FB7] =	sst s9;
	s0 =	simm.s32 @!p0 $0x0  }
0x12: {  	s1 =	sld [smem:$0x3F9D];
	s0 =	simm.s32 @p0 $0x1  }
0x13: {  	[smem:$0x3FB8] =	sst s0;
	s0 =	simm.s32 @!p1 $0x0  }
0x14: {  	s2 =	sld [smem:$0x3F9C];
	s0 =	simm.s32 @p1 $0x1  }
0x15: {  	[smem:$0x3FB9] =	sst s0;
	s0 =	simm.s32 @!p2 $0x0  }
0x16: {  	s3 =	sld [smem:$0x3FDB];
	s0 =	simm.s32 @p2 $0x1  }
0x17: {  	s4 =	simm.s32 $0x1BF5;
	[smem:$0x3FBB] =	sst s0  }
0x18: {  	s0 =	sld [smem:$0x3F9E];
	_ =	swait.ge [sflag:s4], $0x0  }
0x19: {  	s7 =	sld [smem:$0x3F9F]  }
0x1a: {  	s8 =	sadd.s32 $0xFFFFE003, lr  }
0x1b: {  	s9 =	sadd.s32 $0xFFFFFEF7, lr;
	s5 =	simm.s32 $0xFFFFFFFF;
	p2 =	slt.u32 s8, $0xFFFFF086  }
0x1c: {  	p1 =	slt.u32 s9, $0xF7A;
	s5 =	simm.s32 @!p2 $0x0  }
0x1d: {  	s5 =	simm.s32 @p1 $0x1;
	p0 =	seq.s32 s7, s2  }
0x1e: {  	s7 =	smul.u32 @!p0 $0xF7A, s2;
	p2 =	seq.s32 @!p0 s5, $0x0  }
0x1f: {  	s9 =	smul.u32 $0xF7A, s1;
	s8 =	simm.s32 @!p0 $0x1BF5;
	p2 =	por !p2, p0  }
0x20: {  	[sflag:s8] =	ssyncset.s32 @!p0 $0xFFFFF086;
	s6 =	sadd.s32 @!p0 s3, s7;
	s7 =	simm.s32 @!p0 $0x108  }
0x21: {  	s3 =	sadd.s32 s3, s9;
	s6 =	sadd.s32 @!p0 $0x88, s6;
	s7 =	simm.s32 @p2 $0x1082  }
0x22: {  	[simem:s7], [sflag:s8] =	dma.local @!p0 [hbm:s6], $0xF7A  }
0x23: {  	s9 =	sor.u32 $0xD0000000, s2;
	s6 =	simm.s32 $0x108;
	_ =	swait.ge @!p0 [sflag:s8], $0x0  }
0x24: {  	s3 =	sadd.s32 $0x88, s3;
	s6 =	simm.s32 @!p1 $0x1082;
	[sflag:s4] =	ssyncset.s32 $0xFFFFF086  }
0x25: {  	[simem:s6], [sflag:s4] =	dma.local [hbm:s3], $0xF7A  }
0x26: {  	[smem:$0x3F9F] =	sst s1;
	(tag) =	ssettag s2;
	_ =	strace s9  }
0x27: {  	s1 =	sld [smem:$0x3FAF]  }
0x28: {  	s2 =	sld [smem:$0x3FB0]  }
0x29: {  	s4 =	sld [smem:$0x3FB2]  }
0x2a: {  	p0 =	seq.s32 s5, $0x0;
	s5 =	sld [smem:$0x3FB3]  }
0x2b: {  	s6 =	sld [smem:$0x3FB4]  }
0x2c: {  	s7 =	sld [smem:$0x3FB5]  }
0x2d: {  	s3 =	simm.s32 $0x108;
	s8 =	sld [smem:$0x3FB6]  }
0x2e: {  	s3 =	simm.s32 @!p0 $0x1082;
	s9 =	sld [smem:$0x3FB7]  }
0x2f: {  	lr =	sadd.s32 s0, s3;
	s0 =	sld [smem:$0x3FAE]  }
0x30: {  	s3 =	sld [smem:$0x3FB1]  }
0x31: {  	[smem:$0x3FBA] =	sst s10  }
0x32: {  	s10 =	sld [smem:$0x3FB8];
	_ =	sdelay $0x3  }
0x33: {  	p0 =	seq.s32 s10, $0x1;
	s10 =	sld [smem:$0x3FBA];
	_ =	sdelay $0x3  }
0x34: {  	[smem:$0x3FBA] =	sst s10  }
0x35: {  	s10 =	sld [smem:$0x3FB9];
	_ =	sdelay $0x3  }
0x36: {  	p1 =	seq.s32 s10, $0x1;
	s10 =	sld [smem:$0x3FBA];
	_ =	sdelay $0x3  }
0x37: {  	[smem:$0x3FBA] =	sst s10  }
0x38: {  	s10 =	sld [smem:$0x3FBB]  }
0x39: {  	_ = 	snop;
	(pc) =	sbr.ind lr, $3  }
0x3a: {  	_ = 	snop  }
0x3b: {  	_ = 	snop  }
0x3c: {  	p2 =	seq.s32 s10, $0x1;
	s10 =	sld [smem:$0x3FBA]  }
0x3d: {  	_ =	shalt  }
0x3e: {  	_ =	shalt  }
0x3f: {  	_ =	shalt  }
0x40: {  	_ =	shalt  }
0x41: {  	_ =	shalt  }
0x42: {  	_ =	shalt  }
0x43: {  	_ =	shalt  }
0x44: {  	_ =	shalt  }
0x45: {  	_ =	shalt  }
0x46: {  	_ =	shalt  }
0x47: {  	_ =	shalt  }
0x48: {  	_ =	shalt  }
0x49: {  	_ =	shalt  }
0x4a: {  	_ =	shalt  }
0x4b: {  	_ =	shalt  }
0x4c: {  	_ =	shalt  }
0x4d: {  	_ =	shalt  }
0x4e: {  	_ =	shalt  }
0x4f: {  	_ =	shalt  }
0x50: {  	_ =	shalt  }
0x51: {  	_ =	shalt  }
0x52: {  	_ =	shalt  }
0x53: {  	_ =	shalt  }
0x54: {  	_ =	shalt  }
0x55: {  	_ =	shalt  }
0x56: {  	_ =	shalt  }
0x57: {  	_ =	shalt  }
0x58: {  	_ =	shalt  }
0x59: {  	_ =	shalt  }
0x5a: {  	_ =	shalt  }
0x5b: {  	_ =	shalt  }
0x5c: {  	_ =	shalt  }
0x5d: {  	_ =	shalt  }
0x5e: {  	_ =	shalt  }
0x5f: {  	_ =	shalt  }
0x60: {  	_ =	shalt  }
0x61: {  	_ =	shalt  }
0x62: {  	_ =	shalt  }
0x63: {  	_ =	shalt  }
0x64: {  	_ =	shalt  }
0x65: {  	_ =	shalt  }
0x66: {  	_ =	shalt  }
0x67: {  	_ =	shalt  }
0x68: {  	_ =	shalt  }
0x69: {  	_ =	shalt  }
0x6a: {  	_ =	shalt  }
0x6b: {  	_ =	shalt  }
0x6c: {  	_ =	shalt  }
0x6d: {  	_ =	shalt  }
0x6e: {  	_ =	shalt  }
0x6f: {  	_ =	shalt  }
0x70: {  	_ =	shalt  }
0x71: {  	_ =	shalt  }
0x72: {  	_ =	shalt  }
0x73: {  	_ =	shalt  }
0x74: {  	_ =	shalt  }
0x75: {  	_ =	shalt  }
0x76: {  	_ =	shalt  }
0x77: {  	_ =	shalt  }
0x78: {  	_ =	shalt  }
0x79: {  	_ =	shalt  }
0x7a: {  	_ =	shalt  }
0x7b: {  	_ =	shalt  }
0x7c: {  	_ =	shalt  }
0x7d: {  	_ =	shalt  }
0x7e: {  	_ =	shalt  }
0x7f: {  	_ =	shalt  }
0x80: {  	_ =	shalt  }
0x81: {  	_ =	shalt  }
0x82: {  	_ =	shalt  }
0x83: {  	_ =	shalt  }
0x84: {  	_ =	shalt  }
0x85: {  	_ =	shalt  }
0x86: {  	_ =	shalt  }
0x87: {  	_ =	shalt  }
.Lfunc_end0:
.L_simem_size_0:
called_computation_lowered:
.L_overlay_start_0:
0x88: {  	s2 =	sld [smem:$0x3FD9]  }
0x89: {  	s3 =	sld [smem:$0x3FFE];
	_ =	sdelay $0x1  }
0x8a: {  	s1 =	srdreg.scid  }
0x8b: {  	s0 =	sand.u32 $0x1, s1  }
0x8c: {  	s17 =	sshll.u32 s0, $0xA;
	s2 =	sadd.s32 s3, s2  }
0x8d: {  	s2 =	sadd.s32 s2, s17  }
0x8e: {  	[smem:$0x3FC6] =	sst s2  }
0x8f: {  	_ = 	snop  }
0x90: {  	s2 =	sld [smem:$0x3FD0];
	(tm) =	ssettm $0x1  }
0x91: {  	s18 =	sld [smem:$0x3FFB];
	_ =	sdelay $0x3  }
0x92: {  	_ =	strace s18  }
0x93: {  	s3 =	sld [smem:$0x3FFC];
	_ =	sdelay $0x3  }
0x94: {  	_ =	strace s3  }
0x95: {  	s3 =	sld [smem:$0x3FFD];
	_ =	sdelay $0x3  }
0x96: {  	_ =	strace s3  }
0x97: {  	_ =	strace $0x8FFFFFFF  }
0x98: {  	s19 =	sld [smem:$0x3FDB];
	_ =	sdelay $0x1  }
0x99: {  	s4 =	simm.s32 $_scs_section_size  }
0x9a: {  	s5 =	simm.s32 $_size__tile_overlayer_lowered;
	s6 =	simm.s32 $_tile_overlayer_lowered  }
0x9b: {  	s22 =	simm.s32 $0x1BFF;
	s21 =	sshll.u32 s6, $0x1;
	s3 =	sadd.s32 s4, s19  }
0x9c: {  	s7 =	simm.s32 $0x0;
	s20 =	sshll.u32 s5, $0x1;
	s5 =	sadd.s32 s21, s3  }
0x9d: {  	[timem:s7], [sflag:s22] =	dma.local [hbm:s5], s20  }
0x9e: {  	_ =	swait.ge [sflag:s22], s20  }
0x9f: {  	s4 =	ssub.s32 $0x0, s20;
	[sflag:s22] =	ssyncset.done $0x0  }
0xa0: {  	[sflag:s22] =	ssyncadd.s32 s4;
	_ =	sdelay $0x1  }
0xa1: {  	s23 =	simm.s32 $0x1B8B  }
0xa2: {  	_ =	swait.ge [sflag:s23], $0x1  }
0xa3: {  	[sflag:s23] =	ssyncset.done $0x0  }
0xa4: {  	s25 =	simm.s32 $0x1B8E;
	s24 =	sld [smem:$0x3FFE];
	[sflag:s23] =	ssyncadd.s32 $0xFFFFFFFF  }
0xa5: {  	s26 =	simm.s32 $execute0_lowered;
	[smem:$0x3FD2] =	sst s25  }
0xa6: {  	s5 =	sshll.u32 s26, $0x1;
	_ =	strace $0x80000046;
	[dreg:$0x1] =	wrdreg $0xFFFFFFFF  }
0xa7: {  	s28 =	simm.s32 $_size_execute0_lowered;
	s3 =	sadd.s32 s3, s5;
	[dreg:$0x0] =	wrdreg $0x0  }
0xa8: {  	s5 =	sshll.u32 s28, $0x1;
	[dreg:$0x2] =	wrdreg s3  }
0xa9: {  	[dreg:$0x3] =	wrdreg s5  }
0xaa: {  	[dreg:$0x4] =	wrdreg $0xC0  }
0xab: {  	_ =	task [dreg:s7], $0x5FFFF  }
0xac: {  	[dreg:$0x1] =	wrdreg $0xFFFFFFFF  }
0xad: {  	[dreg:$0x0] =	wrdreg $0x60  }
0xae: {  	[dreg:$0x2] =	wrdreg s24  }
0xaf: {  	[dreg:$0x3] =	wrdreg s2  }
0xb0: {  	[dreg:$0x4] =	wrdreg $0x28000  }
0xb1: {  	[dreg:$0x5] =	wrdreg $0x9  }
0xb2: {  	_ =	task.clear_ibuf [dreg:s7], $0x6FFFF;
	_ =	strace $0x90000046  }
0xb3: {  	s29 =	simm.s32 $0x9;
	_ =	strace $0x80000048  }
0xb4: {  	_ =	swait.ge [sflag:s29], $0x1  }
0xb5: {  	[sflag:s29] =	ssyncadd.s32 $0xFFFFFFFF  }
0xb6: {  	_ =	strace $0x90000048  }
0xb7: {  	_ =	sfence  }
0xb8: {  	s30 =	sld [smem:$0x0];
	_ =	sdelay $0x2  }
0xb9: {  	s31 =	sshll.u32 s1, $0xD;
	s1 =	sshrl.u32 s1, $0x2  }
0xba: {  	s3 =	sand.u32 $0x4000, s31;
	s1 =	sadd.s32 s1, s30  }
0xbb: {  	s0 =	sor.u32 s3, s0;
	s1 =	sshll.u32 s1, $0x11  }
0xbc: {  	s0 =	sor.u32 s1, s0  }
0xbd: {  	s0 =	sadd.s32 $0x8F2B, s0  }
0xbe: {  	[sflag:s0] =	ssyncadd.remote.s32 $0x1  }
0xbf: {  	_ =	sfence.sel $0xFFFF  }
0xc0: {  	[dreg:$0x0] =	wrdreg $0xFFFFFFFF;
	(pc) =	sbr.abs _section_cstart, $3  }
0xc1: {  	[dreg:$0x1] =	wrdreg $0xFFFFFFFF  }
0xc2: {  	_ =	task.clear_ibuf [dreg:s7], $0x2FFFF;
	_ =	strace $0x9FFFFFFF  }
0xc3: {  	(tm) =	ssettm $0x7FFFFFFF  }
tec
execute0_lowered:
.L_overlay_start_1:
0x0: {  	(tag) =	ssettag $0x1  }
0x1: {  	s2 =	rddreg [dreg:$0x0]  }
0x2: {  	s5 =	rddreg [dreg:$0x1];
	s0 =	srdreg.scid  }
0x3: {  	s6 =	stileid.u32;
	s7 =	rddreg [dreg:$0x2]  }
0x4: {  	s1 =	simm.s32 $0x0;
	s11 =	simm.s32 $0x80C0;
	s12 =	simm.s32 $0x2  }
0x5: {  	s13 =	simm.s32 $0xA8C0;
	s14 =	simm.s32 $0x3;
	s15 =	simm.s32 $0xD0C0  }
0x6: {  	s16 =	simm.s32 $0x4;
	s17 =	simm.s32 $0xF8C0;
	s18 =	simm.s32 $0x5  }
0x7: {  	s19 =	simm.s32 $0x120C0;
	s20 =	simm.s32 $0x6;
	s21 =	simm.s32 $0x148C0  }
0x8: {  	s22 =	simm.s32 $0x7;
	s23 =	simm.s32 $0x8;
	s24 =	simm.s32 $0x0  }
0x9: {  	s3 =	sand.u32 $0x1, s0;
	s4 =	sshll.u32 s6, $0x1;
	s0 =	rddreg [dreg:$0x3]  }
0xa: {  	[smem:$0x7FF] =	sst s1;
	s10 =	smul.u32 $0x32000, s6;
	p0 =	sne.s32 s6, $0x0  }
0xb: {  	s6 =	simm.s32 $0x9;
	s4 =	sor.u32 s3, s4;
	_ =	strace $0x80000047  }
0xc: {  	s8 =	ssub.s32 $0x2, s3;
	s31 =	smul.u32 $0x19000, s3;
	s7 =	sshrl.u32 @!p0 s7, $0x3  }
0xd: {  	s4 =	smul.u32 $0x500, s4;
	s9 =	sshrl.u32 s8, $0x1;
	s5 =	sadd.s32 s10, s5  }
0xe: {  	s10 =	simm.s32 $0x1;
	s8 =	ssub.s32 s8, s9;
	s5 =	sadd.s32 s31, s5  }
0xf: {  	s9 =	simm.s32 $0x58C0;
	s4 =	sadd.s32 s4, s2;
	s2 =	sadd.s32 $0xA400, s2  }
0x10: {  	s3 =	sadd.s32 $0x400, s4;
	s4 =	smax.u32 s8, $0x1;
	s8 =	simm.s32 $0x30C0  }
.LBB2_1:
0x11: {  	[tilespmem:s1], [sflag:$0x9] =	stream.linear.gather [hbm4b:s3+s1], $0x2800, $0x38;
	[tilespmem:$0x170C0] =	vst v63  }
0x12: {  	_ =	swait.ge [sflag:s6], $0x2800  }
0x13: {  	[sflag:s6] =	ssyncset.done $0x0  }
0x14: {  	s25 =	simm.s32 @!p0 $0x1C09;
	[sflag:s6] =	ssyncadd.s32 $0xFFFFD800  }
0x15: {  	[spmem:s7], [sflag:s25] =	dma.local @!p0 [hbm:s2], $0x1180  }
0x16: {  	s25 =	simm.s32 @!p0 $0x9  }
0x17: {  	_ =	swait.ge @!p0 [sflag:s25], $0x1180  }
0x18: {  	[sflag:s25] =	ssyncset.done @!p0 $0x0  }
0x19: {  	p1 =	por $0x1, $0x1;
	[sflag:s25] =	ssyncadd.s32 @!p0 $0xFFFFEE80  }
0x1a: {  	s26 =	simm.s32 @!p1 $0x8;
	s25 =	sadd.s32 $0x0, s5;
	[bflag:$0x0] =	sbarrier.arrive $0xFFFF  }
0x1b: {  	[hbm4b:s25+s1] =	stream.linear.scatter [tilespmem:s8], [sflag:$0x1], $0x2800, $0x38;
	[tilespmem:$0x170C0] =	vst v63  }
0x1c: {  	_ =	swait.ge @!p1 [sflag:s26], $0x2800  }
0x1d: {  	[sflag:s26] =	ssyncset.done @!p1 $0x0  }
0x1e: {  	s28 =	sadd.s32 $0x500, s25;
	[sflag:s26] =	ssyncadd.s32 @!p1 $0xFFFFD800  }
0x1f: {  	[hbm4b:s28+s1] =	stream.linear.scatter [tilespmem:s9], [sflag:$0x2], $0x2800, $0x38;
	[tilespmem:$0x170C0] =	vst v63  }
0x20: {  	_ =	swait.ge [sflag:s10], $0x2800  }
0x21: {  	[sflag:s10] =	ssyncset.done $0x0  }
0x22: {  	s30 =	sadd.s32 $0xA00, s25;
	[sflag:s10] =	ssyncadd.s32 $0xFFFFD800  }
0x23: {  	[hbm4b:s30+s1] =	stream.linear.scatter [tilespmem:s11], [sflag:$0x3], $0x2800, $0x38;
	[tilespmem:$0x170C0] =	vst v63  }
0x24: {  	_ =	swait.ge [sflag:s12], $0x2800  }
0x25: {  	[sflag:s12] =	ssyncset.done $0x0  }
0x26: {  	s31 =	sadd.s32 $0xF00, s25;
	[sflag:s12] =	ssyncadd.s32 $0xFFFFD800  }
0x27: {  	[hbm4b:s31+s1] =	stream.linear.scatter [tilespmem:s13], [sflag:$0x4], $0x2800, $0x38;
	[tilespmem:$0x170C0] =	vst v63  }
0x28: {  	_ =	swait.ge [sflag:s14], $0x2800  }
0x29: {  	[sflag:s14] =	ssyncset.done $0x0  }
0x2a: {  	s29 =	sadd.s32 $0x1400, s25;
	[sflag:s14] =	ssyncadd.s32 $0xFFFFD800  }
0x2b: {  	[hbm4b:s29+s1] =	stream.linear.scatter [tilespmem:s15], [sflag:$0x5], $0x2800, $0x38;
	[tilespmem:$0x170C0] =	vst v63  }
0x2c: {  	_ =	swait.ge [sflag:s16], $0x2800  }
0x2d: {  	[sflag:s16] =	ssyncset.done $0x0  }
0x2e: {  	s30 =	sadd.s32 $0x1900, s25;
	[sflag:s16] =	ssyncadd.s32 $0xFFFFD800  }
0x2f: {  	[hbm4b:s30+s1] =	stream.linear.scatter [tilespmem:s17], [sflag:$0x6], $0x2800, $0x38;
	[tilespmem:$0x170C0] =	vst v63  }
0x30: {  	_ =	swait.ge [sflag:s18], $0x2800  }
0x31: {  	[sflag:s18] =	ssyncset.done $0x0  }
0x32: {  	s31 =	sadd.s32 $0x1E00, s25;
	[sflag:s18] =	ssyncadd.s32 $0xFFFFD800  }
0x33: {  	[hbm4b:s31+s1] =	stream.linear.scatter [tilespmem:s19], [sflag:$0x7], $0x2800, $0x38;
	[tilespmem:$0x170C0] =	vst v63  }
0x34: {  	_ =	swait.ge [sflag:s20], $0x2800  }
0x35: {  	[sflag:s20] =	ssyncset.done $0x0  }
0x36: {  	s26 =	simm.s32 $0x2800;
	s25 =	sadd.s32 $0x2300, s25;
	[sflag:s20] =	ssyncadd.s32 $0xFFFFD800  }
0x37: {  	[hbm4b:s25+s1] =	stream.linear.scatter [tilespmem:s21], [sflag:$0x8], $0x2800, $0x38;
	[tilespmem:$0x170C0] =	vst v63  }
0x38: {  	s28 =	simm.s32 $0x5000;
	s25 =	sadd.s32 $0x2800, s5;
	_ =	swait.ge [sflag:s22], $0x2800  }
.LBB2_2:
0x39: {  	s29 =	sadd.s32 s28, s5  }
0x3a: {  	p2 =	seq.s32 s26, $0x0;
	[sflag:s22] =	ssyncset.done $0x0;
	s26 =	smov.u32 s28  }
0x3b: {  	s28 =	sadd.s32 $0x2800, s28;
	s30 =	simm.s32 @!p2 $0x8;
	[sflag:s22] =	ssyncadd.s32 $0xFFFFD800  }
0x3c: {  	[hbm4b:s25+s1] =	stream.linear.scatter [tilespmem:s8], [sflag:$0x1], $0x2800, $0x38;
	[tilespmem:$0x170C0] =	vst v63  }
0x3d: {  	p1 =	sne.s32 s28, $0x19000;
	_ =	swait.ge @!p2 [sflag:s30], $0x2800  }
0x3e: {  	s31 =	sadd.s32 $0x500, s25;
	[sflag:s30] =	ssyncset.done @!p2 $0x0  }
0x3f: {  	[sflag:s30] =	ssyncadd.s32 @!p2 $0xFFFFD800  }
0x40: {  	[hbm4b:s31+s1] =	stream.linear.scatter [tilespmem:s9], [sflag:$0x2], $0x2800, $0x38;
	[tilespmem:$0x170C0] =	vst v63  }
0x41: {  	_ =	swait.ge [sflag:s10], $0x2800  }
0x42: {  	s30 =	sadd.s32 $0xA00, s25;
	[sflag:s10] =	ssyncset.done $0x0  }
0x43: {  	[sflag:s10] =	ssyncadd.s32 $0xFFFFD800  }
0x44: {  	[hbm4b:s30+s1] =	stream.linear.scatter [tilespmem:s11], [sflag:$0x3], $0x2800, $0x38;
	[tilespmem:$0x170C0] =	vst v63  }
0x45: {  	_ =	swait.ge [sflag:s12], $0x2800  }
0x46: {  	s30 =	sadd.s32 $0xF00, s25;
	[sflag:s12] =	ssyncset.done $0x0  }
0x47: {  	[sflag:s12] =	ssyncadd.s32 $0xFFFFD800  }
0x48: {  	[hbm4b:s30+s1] =	stream.linear.scatter [tilespmem:s13], [sflag:$0x4], $0x2800, $0x38;
	[tilespmem:$0x170C0] =	vst v63  }
0x49: {  	_ =	swait.ge [sflag:s14], $0x2800  }
0x4a: {  	s30 =	sadd.s32 $0x1400, s25;
	[sflag:s14] =	ssyncset.done $0x0  }
0x4b: {  	[sflag:s14] =	ssyncadd.s32 $0xFFFFD800  }
0x4c: {  	[hbm4b:s30+s1] =	stream.linear.scatter [tilespmem:s15], [sflag:$0x5], $0x2800, $0x38;
	[tilespmem:$0x170C0] =	vst v63  }
0x4d: {  	_ =	swait.ge [sflag:s16], $0x2800  }
0x4e: {  	s30 =	sadd.s32 $0x1900, s25;
	[sflag:s16] =	ssyncset.done $0x0  }
0x4f: {  	[sflag:s16] =	ssyncadd.s32 $0xFFFFD800  }
0x50: {  	[hbm4b:s30+s1] =	stream.linear.scatter [tilespmem:s17], [sflag:$0x6], $0x2800, $0x38;
	[tilespmem:$0x170C0] =	vst v63  }
0x51: {  	_ =	swait.ge [sflag:s18], $0x2800  }
0x52: {  	s30 =	sadd.s32 $0x1E00, s25;
	[sflag:s18] =	ssyncset.done $0x0  }
0x53: {  	[sflag:s18] =	ssyncadd.s32 $0xFFFFD800  }
0x54: {  	[hbm4b:s30+s1] =	stream.linear.scatter [tilespmem:s19], [sflag:$0x7], $0x2800, $0x38;
	[tilespmem:$0x170C0] =	vst v63  }
.Ltmp0:
0x55: {  	_ =	swait.ge [sflag:s20], $0x2800;
	(pc) =	sbr.rel @p1 .LBB2_2-.Ltmp0, $4  }
0x56: {  	s30 =	sadd.s32 $0x2300, s25;
	s25 =	smov.u32 s29;
	[sflag:s20] =	ssyncset.done $0x0  }
0x57: {  	[sflag:s20] =	ssyncadd.s32 $0xFFFFD800  }
0x58: {  	[hbm4b:s30+s1] =	stream.linear.scatter [tilespmem:s21], [sflag:$0x8], $0x2800, $0x38;
	[tilespmem:$0x170C0] =	vst v63  }
0x59: {  	_ =	swait.ge [sflag:s22], $0x2800  }
0x5a: {  	p1 =	seq.s32 s26, $0x0;
	[sflag:s22] =	ssyncset.done $0x0  }
0x5b: {  	s26 =	simm.s32 @!p1 $0x8;
	[sflag:s22] =	ssyncadd.s32 $0xFFFFD800  }
0x5c: {  	[hbm4b:s25+s1] =	stream.linear.scatter [tilespmem:s8], [sflag:$0x1], $0x2800, $0x38;
	[tilespmem:$0x170C0] =	vst v63  }
0x5d: {  	_ =	swait.ge @!p1 [sflag:s26], $0x2800  }
0x5e: {  	[sflag:s26] =	ssyncset.done @!p1 $0x0  }
0x5f: {  	s28 =	sadd.s32 $0x500, s25;
	[sflag:s26] =	ssyncadd.s32 @!p1 $0xFFFFD800  }
0x60: {  	[hbm4b:s28+s1] =	stream.linear.scatter [tilespmem:s9], [sflag:$0x2], $0x2800, $0x38;
	[tilespmem:$0x170C0] =	vst v63  }
0x61: {  	_ =	swait.ge [sflag:s10], $0x2800  }
0x62: {  	[sflag:s10] =	ssyncset.done $0x0  }
0x63: {  	s30 =	sadd.s32 $0xA00, s25;
	[sflag:s10] =	ssyncadd.s32 $0xFFFFD800  }
0x64: {  	[hbm4b:s30+s1] =	stream.linear.scatter [tilespmem:s11], [sflag:$0x3], $0x2800, $0x38;
	[tilespmem:$0x170C0] =	vst v63  }
0x65: {  	_ =	swait.ge [sflag:s12], $0x2800  }
0x66: {  	[sflag:s12] =	ssyncset.done $0x0  }
0x67: {  	s31 =	sadd.s32 $0xF00, s25;
	[sflag:s12] =	ssyncadd.s32 $0xFFFFD800  }
0x68: {  	[hbm4b:s31+s1] =	stream.linear.scatter [tilespmem:s13], [sflag:$0x4], $0x2800, $0x38;
	[tilespmem:$0x170C0] =	vst v63  }
0x69: {  	_ =	swait.ge [sflag:s14], $0x2800  }
0x6a: {  	[sflag:s14] =	ssyncset.done $0x0  }
0x6b: {  	s28 =	sadd.s32 $0x1400, s25;
	[sflag:s14] =	ssyncadd.s32 $0xFFFFD800  }
0x6c: {  	[hbm4b:s28+s1] =	stream.linear.scatter [tilespmem:s15], [sflag:$0x5], $0x2800, $0x38;
	[tilespmem:$0x170C0] =	vst v63  }
0x6d: {  	_ =	swait.ge [sflag:s16], $0x2800  }
0x6e: {  	[sflag:s16] =	ssyncset.done $0x0  }
0x6f: {  	s29 =	sadd.s32 $0x1900, s25;
	[sflag:s16] =	ssyncadd.s32 $0xFFFFD800  }
0x70: {  	[hbm4b:s29+s1] =	stream.linear.scatter [tilespmem:s17], [sflag:$0x6], $0x2800, $0x38;
	[tilespmem:$0x170C0] =	vst v63  }
0x71: {  	_ =	swait.ge [sflag:s18], $0x2800  }
0x72: {  	[sflag:s18] =	ssyncset.done $0x0  }
0x73: {  	s30 =	sadd.s32 $0x1E00, s25;
	[sflag:s18] =	ssyncadd.s32 $0xFFFFD800  }
0x74: {  	[hbm4b:s30+s1] =	stream.linear.scatter [tilespmem:s19], [sflag:$0x7], $0x2800, $0x38;
	[tilespmem:$0x170C0] =	vst v63  }
0x75: {  	_ =	swait.ge [sflag:s20], $0x2800  }
0x76: {  	[sflag:s20] =	ssyncset.done $0x0  }
0x77: {  	s24 =	sadd.s32 $0x1, s24;
	s31 =	sadd.s32 $0x2300, s25;
	[sflag:s20] =	ssyncadd.s32 $0xFFFFD800  }
0x78: {  	[hbm4b:s31+s1] =	stream.linear.scatter [tilespmem:s21], [sflag:$0x8], $0x2800, $0x38;
	[tilespmem:$0x170C0] =	vst v63  }
0x79: {  	p1 =	sne.s32 s24, s4;
	_ =	swait.ge [sflag:s22], $0x2800  }
.Ltmp1:
0x7a: {  	[sflag:s22] =	ssyncset.done $0x0;
	(pc) =	sbr.rel @p1 .LBB2_1-.Ltmp1, $4  }
0x7b: {  	[sflag:s22] =	ssyncadd.s32 $0xFFFFD800  }
0x7c: {  	_ =	swait.ge [sflag:s23], $0x2800  }
0x7d: {  	[sflag:s23] =	ssyncset.done $0x0  }
0x7e: {  	[sflag:s23] =	ssyncadd.s32 $0xFFFFD800  }
0x7f: {  	_ =	sfence.sel $0x180000  }
0x80: {  	[bflag:$0x0] =	sbarrier.arrive $0xFFFF  }
0x81: {  	_ =	strace $0x90000047  }
0x82: {  	s0 =	sadd.s32 @!p0 $0x100000, s0;
	[bflag:$0x2] =	sbarrier.arrive $0xFFFF  }
0x83: {  	[sflag:s0] =	ssyncadd.tile.s32 @!p0 $0x1;
	_ =	shalt  }
.Lfunc_end2:
_tile_overlayer_lowered:
.L_overlay_start_2:
0x84: {  	(tag) =	ssettag $0x2  }
0x85: {  	s0 =	rddreg [dreg:$0x0];
	s2 =	stileid.u32  }
0x86: {  	s1 =	rddreg [dreg:$0x1];
	p0 =	sne.s32 s2, $0x0  }
0x87: {  	s3 =	rddreg [dreg:$0x2];
	[bflag:$0x3] =	sbarrier.arrive $0xFFFF;
	s2 =	simm.s32 @!p0 $0x1C09  }
0x88: {  	[timem:s3], [sflag:s2] =	dma.local @!p0 [hbm:s0], s1  }
0x89: {  	s0 =	simm.s32 @!p0 $0x9  }
0x8a: {  	_ =	swait.ge @!p0 [sflag:s0], s1  }
0x8b: {  	s1 =	ssub.s32 @!p0 $0x0, s1;
	[sflag:s0] =	ssyncset.done @!p0 $0x0  }
0x8c: {  	[sflag:s0] =	ssyncadd.s32 @!p0 s1  }
0x8d: {  	[bflag:$0x3] =	sbarrier.arrive $0xFFFF  }
0x8e: {  	_ =	shalt  }

</sc_bundles>
